<compile_context>
chip_gen: v7x
topology: tpu7x:2x2x1
jax: 0.10.2.dev20260603
libtpu: 0.0.44.dev20260713+nightly
codegen_flags: <defaults>
</compile_context>

<pallas_src>
import functools

import jax
import jax.numpy as jnp
from jax import lax
from jax.experimental import pallas as pl
from jax.experimental.pallas import tpu as pltpu
from jax.experimental.pallas import tpu_sc as plsc

EMBED_DIM = 32
PAD_ROW = EMBED_DIM + 1
NUM_CORES = 2
NUM_SUBCORES = 16
NUM_WORKERS = NUM_CORES * NUM_SUBCORES
LANES = 16
SUBLANES = 8
LANES128 = 128


@functools.lru_cache(maxsize=None)
def _build(batch: int, hist: int, vocab_rows: int):
    b_per_w = batch // NUM_WORKERS
    bt_per_w = b_per_w // LANES128
    groups = b_per_w // LANES
    d_tiles = EMBED_DIM // SUBLANES
    assert batch % (NUM_WORKERS * LANES128) == 0
    mesh = plsc.VectorSubcoreMesh(core_axis_name="c", subcore_axis_name="s")

    @functools.partial(
        pl.kernel,
        mesh=mesh,
        compiler_params=pltpu.CompilerParams(
            use_tc_tiling_on_sc=False, needs_layout_passes=False),
        out_type=jax.ShapeDtypeStruct(
            (hist, d_tiles, batch // LANES128, SUBLANES, LANES128),
            jnp.float32),
        scratch_types=[
            pltpu.VMEM((vocab_rows * PAD_ROW,), jnp.float32),
            pltpu.VMEM((hist, b_per_w), jnp.int32),
            pltpu.VMEM((2, d_tiles, bt_per_w, SUBLANES, LANES128),
                       jnp.float32),
            pltpu.SemaphoreType.DMA((2,)),
        ],
    )
    def gather_kernel(idxt_hbm, table_hbm, out_hbm, table_v, islab, stg,
                      osem):
        wid = lax.axis_index("s") * NUM_CORES + lax.axis_index("c")
        b0 = wid * b_per_w
        bt0 = wid * bt_per_w

        pltpu.sync_copy(table_hbm, table_v)
        pltpu.sync_copy(idxt_hbm.at[:, pl.ds(b0, b_per_w)], islab)

        def step_body(h, carry):
            buf = lax.rem(h, 2)

            @pl.when(h >= 2)
            def _drain():
                pltpu.make_async_copy(
                    stg.at[buf], out_hbm.at[h - 2, :, pl.ds(bt0, bt_per_w)],
                    osem.at[buf]).wait()

            @plsc.parallel_loop(0, groups, unroll=1)
            def group_body(g):
                vec = islab[h, pl.ds(g * LANES, LANES)]
                addr = (vec + 1) * PAD_ROW
                bt = g // (LANES128 // LANES)
                bs0 = lax.rem(g, LANES128 // LANES) * LANES
                for dt in range(d_tiles):
                    for ds in range(SUBLANES):
                        col = plsc.load_gather(
                            table_v, [addr + (dt * SUBLANES + ds)])
                        stg[buf, dt, bt, ds, pl.ds(bs0, LANES)] = col

            pltpu.async_copy(
                stg.at[buf], out_hbm.at[h, :, pl.ds(bt0, bt_per_w)],
                osem.at[buf])
            return carry

        lax.fori_loop(0, hist, step_body, 0)

        for h in (hist - 2, hist - 1):
            pltpu.make_async_copy(
                stg.at[h % 2], out_hbm.at[h, :, pl.ds(bt0, bt_per_w)],
                osem.at[h % 2]).wait()

    return gather_kernel


def kernel(indices, table):
    batch, hist = indices.shape
    idx_t = indices.T
    table_pad = jnp.pad(table, ((0, 0), (0, PAD_ROW - EMBED_DIM)))
    table_flat = table_pad.reshape(table.shape[0] * PAD_ROW)
    out5 = _build(batch, hist, table.shape[0])(idx_t, table_flat)
    return out5.transpose((2, 4, 0, 1, 3)).reshape(batch, hist, EMBED_DIM)

# --- scband reference (transcript-rebuilt; emitter-appended) ---
"""Pipeline reference for scband-user-model-35098472742982 (READ-ONLY COPY).

The authoritative reference and input builder live on the scoring server;
editing this copy changes nothing except your own understanding.
"""

import jax, jax.numpy as jnp
import numpy as np

VOCAB = 1000
EMBED_DIM = 32
BATCH = 16384
HIST = 50

def setup_inputs(seed: int = 0):
    key = jax.random.key(seed)
    k1, k2 = jax.random.split(key)
    # The keras model takes string ids; StringLookup(mask_token=None) maps vocabulary
    # term i -> integer index i+1 (index 0 is reserved for OOV). We model the raw
    # vocabulary positions as integers in [0, VOCAB) and apply the +1 shift inside
    # reference(), which is exactly the lookup result for in-vocabulary ids.
    indices = jax.random.randint(k1, (BATCH, HIST), 0, VOCAB, dtype=jnp.int32)
    # Embedding(len(unique_user_ids) + 1, embedding_dim) -> table (VOCAB + 1, EMBED_DIM)
    table = jax.random.normal(k2, (VOCAB + 1, EMBED_DIM), dtype=jnp.float32) * 0.05
    return {"indices": indices, "table": table}

def reference(indices, table):
    # StringLookup: term i -> i + 1 (0 reserved for OOV token)
    idx = indices + 1
    # Embedding lookup: gather rows of the table
    return jnp.take(table, idx, axis=0)

if __name__ == "__main__":
    import jax
    _d = setup_inputs()
    print(jax.jit(kernel)(*tuple(_d.values())))

</pallas_src>

<mosaic_0001>
#map = affine_map<(d0, d1) -> (0, 0)>
#map1 = affine_map<(d0, d1) -> (0)>
#map2 = affine_map<(d0, d1) -> (0, 0, 0, 0, 0)>
module attributes {stable_mosaic.version = 14 : i64} {
  func.func @gather_kernel(%arg0: i32, %arg1: i32, %arg2: memref<50x16384xi32, #tpu.memory_space<hbm>>, %arg3: memref<33033xf32, #tpu.memory_space<hbm>>, %arg4: memref<50x4x128x8x128xf32, #tpu.memory_space<hbm>>, %arg5: memref<33033xf32, #tpu.memory_space<vmem>>, %arg6: memref<50x512xi32, #tpu.memory_space<vmem>>, %arg7: memref<2x4x4x8x128xf32, #tpu.memory_space<vmem>>, %arg8: memref<2x!tpu.dma_semaphore, #tpu.memory_space<semaphore_mem>>) attributes {dimension_semantics = [#tpu.dimension_semantics<core_parallel>, #tpu.dimension_semantics<subcore_parallel>], iteration_bounds = array<i64: 2, 16>, scalar_prefetch = 0 : i64, scratch_operands = 4 : i64, tpu.core_type = #tpu.core_type<sc_vector_subcore>, window_params = [{transform_indices = #map}, {transform_indices = #map1}, {transform_indices = #map2}]} {
    %mul3A = arith.constant 2 : i32
    %mul3A_0 = arith.muli %arg1, %mul3A : i32
    %add3A = arith.addi %mul3A_0, %arg0 : i32
    %mul3A_1 = arith.constant 512 : i32
    %mul3A_2 = arith.muli %add3A, %mul3A_1 : i32
    %mul3A_3 = arith.constant 4 : i32
    %mul3A_4 = arith.muli %add3A, %mul3A_3 : i32
    "tpu.region"() ({
      %run_scoped3A = tpu.sem_alloc : memref<!tpu.dma_semaphore, #tpu.memory_space<semaphore_mem>>
      tpu.enqueue_dma source(%arg3 : memref<33033xf32, #tpu.memory_space<hbm>>) target(%arg5 : memref<33033xf32, #tpu.memory_space<vmem>>) target_semaphore(%run_scoped3A : memref<!tpu.dma_semaphore, #tpu.memory_space<semaphore_mem>>)
      tpu.wait_dma2 semaphore(%run_scoped3A : memref<!tpu.dma_semaphore, #tpu.memory_space<semaphore_mem>>) src(%arg3 : memref<33033xf32, #tpu.memory_space<hbm>>) dst(%arg5 : memref<33033xf32, #tpu.memory_space<vmem>>)
      tpu.yield
    }) : () -> ()
    "tpu.region"() ({
      %run_scoped3A = tpu.sem_alloc : memref<!tpu.dma_semaphore, #tpu.memory_space<semaphore_mem>>
      %dma_start3A = arith.constant 0 : i32
      %dma_start3A_63 = tpu.memref_slice %arg2[%dma_start3A, %mul3A_2] : memref<50x16384xi32, #tpu.memory_space<hbm>> -> memref<50x512xi32, #tpu.memory_space<hbm>>
      %dma_start3A_64 = arith.constant 0 : i32
      %dma_start3A_65 = tpu.memref_slice %arg2[%dma_start3A_64, %mul3A_2] : memref<50x16384xi32, #tpu.memory_space<hbm>> -> memref<50x512xi32, #tpu.memory_space<hbm>>
      tpu.enqueue_dma source(%dma_start3A_65 : memref<50x512xi32, #tpu.memory_space<hbm>>) target(%arg6 : memref<50x512xi32, #tpu.memory_space<vmem>>) target_semaphore(%run_scoped3A : memref<!tpu.dma_semaphore, #tpu.memory_space<semaphore_mem>>)
      %dma_wait3A_66 = arith.constant 0 : i32
      %dma_wait3A_67 = tpu.memref_slice %arg2[%dma_wait3A_66, %mul3A_2] : memref<50x16384xi32, #tpu.memory_space<hbm>> -> memref<50x512xi32, #tpu.memory_space<hbm>>
      %dma_wait3A_68 = arith.constant 0 : i32
      %dma_wait3A_69 = tpu.memref_slice %arg2[%dma_wait3A_68, %mul3A_2] : memref<50x16384xi32, #tpu.memory_space<hbm>> -> memref<50x512xi32, #tpu.memory_space<hbm>>
      tpu.wait_dma2 semaphore(%run_scoped3A : memref<!tpu.dma_semaphore, #tpu.memory_space<semaphore_mem>>) src(%dma_wait3A_69 : memref<50x512xi32, #tpu.memory_space<hbm>>) dst(%arg6 : memref<50x512xi32, #tpu.memory_space<vmem>>)
      tpu.yield
    }) : () -> ()
    %scan3A = arith.constant 0 : i32
    %scan3A_5 = arith.constant 0 : i32
    %scan3A_6 = arith.constant 50 : i32
    %scan3A_7 = arith.addi %scan3A_5, %scan3A_6 : i32
    %scan3A_8 = arith.constant 1 : i32
    scf.for %scan3A_63 = %scan3A_5 to %scan3A_7 step %scan3A_8  : i32 {
      %rem3A = arith.constant 2 : i32
      %rem3A_64 = arith.remsi %scan3A_63, %rem3A : i32
      %ge3A = arith.constant 2 : i32
      %ge3A_65 = arith.cmpi sge, %scan3A_63, %ge3A : i32
      %convert_element_type3A = arith.extui %ge3A_65 : i1 to i32
      %cond3A = arith.constant 0 : i32
      %cond3A_66 = arith.cmpi ne, %convert_element_type3A, %cond3A : i32
      scf.if %cond3A_66 {
        %sub3A = arith.constant 2 : i32
        %sub3A_92 = arith.subi %scan3A_63, %sub3A : i32
        %dma_wait3A_93 = arith.constant 0 : i32
        %dma_wait3A_94 = arith.constant 0 : i32
        %dma_wait3A_95 = arith.constant 0 : i32
        %dma_wait3A_96 = arith.constant 0 : i32
        %dma_wait3A_97 = tpu.memref_slice %arg7[%rem3A_64, %dma_wait3A_93, %dma_wait3A_94, %dma_wait3A_95, %dma_wait3A_96] : memref<2x4x4x8x128xf32, #tpu.memory_space<vmem>> -> memref<1x4x4x8x128xf32, #tpu.memory_space<vmem>>
        %dma_wait3A_98 = tpu.memref_squeeze %dma_wait3A_97 : memref<1x4x4x8x128xf32, #tpu.memory_space<vmem>> -> memref<4x4x8x128xf32, #tpu.memory_space<vmem>>
        %dma_wait3A_99 = arith.constant 0 : i32
        %dma_wait3A_100 = arith.constant 0 : i32
        %dma_wait3A_101 = arith.constant 0 : i32
        %dma_wait3A_102 = tpu.memref_slice %arg4[%sub3A_92, %dma_wait3A_99, %mul3A_4, %dma_wait3A_100, %dma_wait3A_101] : memref<50x4x128x8x128xf32, #tpu.memory_space<hbm>> -> memref<1x4x4x8x128xf32, #tpu.memory_space<hbm>>
        %dma_wait3A_103 = tpu.memref_squeeze %dma_wait3A_102 : memref<1x4x4x8x128xf32, #tpu.memory_space<hbm>> -> memref<4x4x8x128xf32, #tpu.memory_space<hbm>>
        %dma_wait3A_104 = tpu.memref_slice %arg8[%rem3A_64] : memref<2x!tpu.dma_semaphore, #tpu.memory_space<semaphore_mem>> -> memref<1x!tpu.dma_semaphore, #tpu.memory_space<semaphore_mem>>
        %dma_wait3A_105 = tpu.memref_squeeze %dma_wait3A_104 : memref<1x!tpu.dma_semaphore, #tpu.memory_space<semaphore_mem>> -> memref<!tpu.dma_semaphore, #tpu.memory_space<semaphore_mem>>
        %dma_wait3A_106 = arith.constant 0 : i32
        %dma_wait3A_107 = arith.constant 0 : i32
        %dma_wait3A_108 = arith.constant 0 : i32
        %dma_wait3A_109 = tpu.memref_slice %arg4[%sub3A_92, %dma_wait3A_106, %mul3A_4, %dma_wait3A_107, %dma_wait3A_108] : memref<50x4x128x8x128xf32, #tpu.memory_space<hbm>> -> memref<1x4x4x8x128xf32, #tpu.memory_space<hbm>>
        %dma_wait3A_110 = tpu.memref_squeeze %dma_wait3A_109 : memref<1x4x4x8x128xf32, #tpu.memory_space<hbm>> -> memref<4x4x8x128xf32, #tpu.memory_space<hbm>>
        %dma_wait3A_111 = arith.constant 0 : i32
        %dma_wait3A_112 = arith.constant 0 : i32
        %dma_wait3A_113 = arith.constant 0 : i32
        %dma_wait3A_114 = arith.constant 0 : i32
        %dma_wait3A_115 = tpu.memref_slice %arg7[%rem3A_64, %dma_wait3A_111, %dma_wait3A_112, %dma_wait3A_113, %dma_wait3A_114] : memref<2x4x4x8x128xf32, #tpu.memory_space<vmem>> -> memref<1x4x4x8x128xf32, #tpu.memory_space<vmem>>
        %dma_wait3A_116 = tpu.memref_squeeze %dma_wait3A_115 : memref<1x4x4x8x128xf32, #tpu.memory_space<vmem>> -> memref<4x4x8x128xf32, #tpu.memory_space<vmem>>
        tpu.wait_dma2 semaphore(%dma_wait3A_105 : memref<!tpu.dma_semaphore, #tpu.memory_space<semaphore_mem>>) src(%dma_wait3A_116 : memref<4x4x8x128xf32, #tpu.memory_space<vmem>>) dst(%dma_wait3A_110 : memref<4x4x8x128xf32, #tpu.memory_space<hbm>>)
      } else {
      }
      %parallel_loop3A = arith.constant 0 : i32
      %parallel_loop3A_67 = arith.constant 32 : i32
      %parallel_loop3A_68 = arith.constant 1 : i32
      scf.for %parallel_loop3A_92 = %parallel_loop3A to %parallel_loop3A_67 step %parallel_loop3A_68  : i32 {
        %parallel_loop3A_93 = arith.constant 16 : i32
        %parallel_loop3A_94 = arith.muli %parallel_loop3A_92, %parallel_loop3A_93 : i32
        %parallel_loop3A_95 = arith.index_cast %scan3A_63 : i32 to index
        %parallel_loop3A_96 = arith.index_cast %parallel_loop3A_94 : i32 to index
        %parallel_loop3A_97 = tpu.vector_load %arg6[%parallel_loop3A_95, %parallel_loop3A_96] {strides = array<i32>} : memref<50x512xi32, #tpu.memory_space<vmem>>, vector<16xi32>,
        %parallel_loop3A_98 = arith.constant 1 : i32
        %parallel_loop3A_99 = vector.broadcast %parallel_loop3A_98 : i32 to vector<16xi32>
        %parallel_loop3A_100 = arith.addi %parallel_loop3A_97, %parallel_loop3A_99 : vector<16xi32>
        %parallel_loop3A_101 = arith.constant 33 : i32
        %parallel_loop3A_102 = vector.broadcast %parallel_loop3A_101 : i32 to vector<16xi32>
        %parallel_loop3A_103 = arith.muli %parallel_loop3A_100, %parallel_loop3A_102 : vector<16xi32>
        %parallel_loop3A_104 = arith.constant 8 : i32
        %parallel_loop3A_105 = arith.divsi %parallel_loop3A_92, %parallel_loop3A_104 : i32
        %parallel_loop3A_106 = arith.constant 0 : i32
        %parallel_loop3A_107 = arith.cmpi sgt, %parallel_loop3A_92, %parallel_loop3A_106 : i32
        %parallel_loop3A_108 = arith.extui %parallel_loop3A_107 : i1 to i32
        %parallel_loop3A_109 = arith.constant 0 : i32
        %parallel_loop3A_110 = arith.cmpi slt, %parallel_loop3A_92, %parallel_loop3A_109 : i32
        %parallel_loop3A_111 = arith.extui %parallel_loop3A_110 : i1 to i32
        %parallel_loop3A_112 = arith.subi %parallel_loop3A_108, %parallel_loop3A_111 : i32
        %parallel_loop3A_113 = arith.constant 0 : i32
        %parallel_loop3A_114 = arith.cmpi sgt, %parallel_loop3A_104, %parallel_loop3A_113 : i32
        %parallel_loop3A_115 = arith.extui %parallel_loop3A_114 : i1 to i32
        %parallel_loop3A_116 = arith.constant 0 : i32
        %parallel_loop3A_117 = arith.cmpi slt, %parallel_loop3A_104, %parallel_loop3A_116 : i32
        %parallel_loop3A_118 = arith.extui %parallel_loop3A_117 : i1 to i32
        %parallel_loop3A_119 = arith.subi %parallel_loop3A_115, %parallel_loop3A_118 : i32
        %parallel_loop3A_120 = arith.cmpi ne, %parallel_loop3A_112, %parallel_loop3A_119 : i32
        %parallel_loop3A_121 = arith.remsi %parallel_loop3A_92, %parallel_loop3A_104 : i32
        %parallel_loop3A_122 = arith.constant 0 : i32
        %parallel_loop3A_123 = arith.cmpi ne, %parallel_loop3A_121, %parallel_loop3A_122 : i32
        %parallel_loop3A_124 = arith.andi %parallel_loop3A_120, %parallel_loop3A_123 : i1
        %parallel_loop3A_125 = arith.constant 1 : i32
        %parallel_loop3A_126 = arith.subi %parallel_loop3A_105, %parallel_loop3A_125 : i32
        %parallel_loop3A_127 = arith.select %parallel_loop3A_124, %parallel_loop3A_126, %parallel_loop3A_105 : i32
        %parallel_loop3A_128 = arith.constant 8 : i32
        %parallel_loop3A_129 = arith.remsi %parallel_loop3A_92, %parallel_loop3A_128 : i32
        %parallel_loop3A_130 = arith.constant 16 : i32
        %parallel_loop3A_131 = arith.muli %parallel_loop3A_129, %parallel_loop3A_130 : i32
        %parallel_loop3A_132 = arith.constant 0 : i32
        %parallel_loop3A_133 = vector.broadcast %parallel_loop3A_132 : i32 to vector<16xi32>
        %parallel_loop3A_134 = arith.addi %parallel_loop3A_103, %parallel_loop3A_133 : vector<16xi32>
        %parallel_loop3A_135 = tpu.vector_load_idx %arg5[%parallel_loop3A_134] : memref<33033xf32, #tpu.memory_space<vmem>>[vector<16xi32>], vector<16xf32>,
        %parallel_loop3A_136 = arith.constant 0 : i32
        %parallel_loop3A_137 = arith.constant 0 : i32
        %parallel_loop3A_138 = arith.index_cast %rem3A_64 : i32 to index
        %parallel_loop3A_139 = arith.index_cast %parallel_loop3A_136 : i32 to index
        %parallel_loop3A_140 = arith.index_cast %parallel_loop3A_127 : i32 to index
        %parallel_loop3A_141 = arith.index_cast %parallel_loop3A_137 : i32 to index
        %parallel_loop3A_142 = arith.index_cast %parallel_loop3A_131 : i32 to index
        %parallel_loop3A_143 = tpu.vector_load %arg7[%parallel_loop3A_138, %parallel_loop3A_139, %parallel_loop3A_140, %parallel_loop3A_141, %parallel_loop3A_142] {strides = array<i32>} : memref<2x4x4x8x128xf32, #tpu.memory_space<vmem>>, vector<16xf32>,
        tpu.vector_store %arg7[%parallel_loop3A_138, %parallel_loop3A_139, %parallel_loop3A_140, %parallel_loop3A_141, %parallel_loop3A_142], %parallel_loop3A_135 {strides = array<i32>} : memref<2x4x4x8x128xf32, #tpu.memory_space<vmem>>, vector<16xf32>,
        %parallel_loop3A_144 = arith.constant 1 : i32
        %parallel_loop3A_145 = vector.broadcast %parallel_loop3A_144 : i32 to vector<16xi32>
        %parallel_loop3A_146 = arith.addi %parallel_loop3A_103, %parallel_loop3A_145 : vector<16xi32>
        %parallel_loop3A_147 = tpu.vector_load_idx %arg5[%parallel_loop3A_146] : memref<33033xf32, #tpu.memory_space<vmem>>[vector<16xi32>], vector<16xf32>,
        %parallel_loop3A_148 = arith.constant 0 : i32
        %parallel_loop3A_149 = arith.constant 1 : i32
        %parallel_loop3A_150 = arith.index_cast %rem3A_64 : i32 to index
        %parallel_loop3A_151 = arith.index_cast %parallel_loop3A_148 : i32 to index
        %parallel_loop3A_152 = arith.index_cast %parallel_loop3A_127 : i32 to index
        %parallel_loop3A_153 = arith.index_cast %parallel_loop3A_149 : i32 to index
        %parallel_loop3A_154 = arith.index_cast %parallel_loop3A_131 : i32 to index
        %parallel_loop3A_155 = tpu.vector_load %arg7[%parallel_loop3A_150, %parallel_loop3A_151, %parallel_loop3A_152, %parallel_loop3A_153, %parallel_loop3A_154] {strides = array<i32>} : memref<2x4x4x8x128xf32, #tpu.memory_space<vmem>>, vector<16xf32>,
        tpu.vector_store %arg7[%parallel_loop3A_150, %parallel_loop3A_151, %parallel_loop3A_152, %parallel_loop3A_153, %parallel_loop3A_154], %parallel_loop3A_147 {strides = array<i32>} : memref<2x4x4x8x128xf32, #tpu.memory_space<vmem>>, vector<16xf32>,
        %parallel_loop3A_156 = arith.constant 2 : i32
        %parallel_loop3A_157 = vector.broadcast %parallel_loop3A_156 : i32 to vector<16xi32>
        %parallel_loop3A_158 = arith.addi %parallel_loop3A_103, %parallel_loop3A_157 : vector<16xi32>
        %parallel_loop3A_159 = tpu.vector_load_idx %arg5[%parallel_loop3A_158] : memref<33033xf32, #tpu.memory_space<vmem>>[vector<16xi32>], vector<16xf32>,
        %parallel_loop3A_160 = arith.constant 0 : i32
        %parallel_loop3A_161 = arith.constant 2 : i32
        %parallel_loop3A_162 = arith.index_cast %rem3A_64 : i32 to index
        %parallel_loop3A_163 = arith.index_cast %parallel_loop3A_160 : i32 to index
        %parallel_loop3A_164 = arith.index_cast %parallel_loop3A_127 : i32 to index
        %parallel_loop3A_165 = arith.index_cast %parallel_loop3A_161 : i32 to index
        %parallel_loop3A_166 = arith.index_cast %parallel_loop3A_131 : i32 to index
        %parallel_loop3A_167 = tpu.vector_load %arg7[%parallel_loop3A_162, %parallel_loop3A_163, %parallel_loop3A_164, %parallel_loop3A_165, %parallel_loop3A_166] {strides = array<i32>} : memref<2x4x4x8x128xf32, #tpu.memory_space<vmem>>, vector<16xf32>,
        tpu.vector_store %arg7[%parallel_loop3A_162, %parallel_loop3A_163, %parallel_loop3A_164, %parallel_loop3A_165, %parallel_loop3A_166], %parallel_loop3A_159 {strides = array<i32>} : memref<2x4x4x8x128xf32, #tpu.memory_space<vmem>>, vector<16xf32>,
        %parallel_loop3A_168 = arith.constant 3 : i32
        %parallel_loop3A_169 = vector.broadcast %parallel_loop3A_168 : i32 to vector<16xi32>
        %parallel_loop3A_170 = arith.addi %parallel_loop3A_103, %parallel_loop3A_169 : vector<16xi32>
        %parallel_loop3A_171 = tpu.vector_load_idx %arg5[%parallel_loop3A_170] : memref<33033xf32, #tpu.memory_space<vmem>>[vector<16xi32>], vector<16xf32>,
        %parallel_loop3A_172 = arith.constant 0 : i32
        %parallel_loop3A_173 = arith.constant 3 : i32
        %parallel_loop3A_174 = arith.index_cast %rem3A_64 : i32 to index
        %parallel_loop3A_175 = arith.index_cast %parallel_loop3A_172 : i32 to index
        %parallel_loop3A_176 = arith.index_cast %parallel_loop3A_127 : i32 to index
        %parallel_loop3A_177 = arith.index_cast %parallel_loop3A_173 : i32 to index
        %parallel_loop3A_178 = arith.index_cast %parallel_loop3A_131 : i32 to index
        %parallel_loop3A_179 = tpu.vector_load %arg7[%parallel_loop3A_174, %parallel_loop3A_175, %parallel_loop3A_176, %parallel_loop3A_177, %parallel_loop3A_178] {strides = array<i32>} : memref<2x4x4x8x128xf32, #tpu.memory_space<vmem>>, vector<16xf32>,
        tpu.vector_store %arg7[%parallel_loop3A_174, %parallel_loop3A_175, %parallel_loop3A_176, %parallel_loop3A_177, %parallel_loop3A_178], %parallel_loop3A_171 {strides = array<i32>} : memref<2x4x4x8x128xf32, #tpu.memory_space<vmem>>, vector<16xf32>,
        %parallel_loop3A_180 = arith.constant 4 : i32
        %parallel_loop3A_181 = vector.broadcast %parallel_loop3A_180 : i32 to vector<16xi32>
        %parallel_loop3A_182 = arith.addi %parallel_loop3A_103, %parallel_loop3A_181 : vector<16xi32>
        %parallel_loop3A_183 = tpu.vector_load_idx %arg5[%parallel_loop3A_182] : memref<33033xf32, #tpu.memory_space<vmem>>[vector<16xi32>], vector<16xf32>,
        %parallel_loop3A_184 = arith.constant 0 : i32
        %parallel_loop3A_185 = arith.constant 4 : i32
        %parallel_loop3A_186 = arith.index_cast %rem3A_64 : i32 to index
        %parallel_loop3A_187 = arith.index_cast %parallel_loop3A_184 : i32 to index
        %parallel_loop3A_188 = arith.index_cast %parallel_loop3A_127 : i32 to index
        %parallel_loop3A_189 = arith.index_cast %parallel_loop3A_185 : i32 to index
        %parallel_loop3A_190 = arith.index_cast %parallel_loop3A_131 : i32 to index
        %parallel_loop3A_191 = tpu.vector_load %arg7[%parallel_loop3A_186, %parallel_loop3A_187, %parallel_loop3A_188, %parallel_loop3A_189, %parallel_loop3A_190] {strides = array<i32>} : memref<2x4x4x8x128xf32, #tpu.memory_space<vmem>>, vector<16xf32>,
        tpu.vector_store %arg7[%parallel_loop3A_186, %parallel_loop3A_187, %parallel_loop3A_188, %parallel_loop3A_189, %parallel_loop3A_190], %parallel_loop3A_183 {strides = array<i32>} : memref<2x4x4x8x128xf32, #tpu.memory_space<vmem>>, vector<16xf32>,
        %parallel_loop3A_192 = arith.constant 5 : i32
        %parallel_loop3A_193 = vector.broadcast %parallel_loop3A_192 : i32 to vector<16xi32>
        %parallel_loop3A_194 = arith.addi %parallel_loop3A_103, %parallel_loop3A_193 : vector<16xi32>
        %parallel_loop3A_195 = tpu.vector_load_idx %arg5[%parallel_loop3A_194] : memref<33033xf32, #tpu.memory_space<vmem>>[vector<16xi32>], vector<16xf32>,
        %parallel_loop3A_196 = arith.constant 0 : i32
        %parallel_loop3A_197 = arith.constant 5 : i32
        %parallel_loop3A_198 = arith.index_cast %rem3A_64 : i32 to index
        %parallel_loop3A_199 = arith.index_cast %parallel_loop3A_196 : i32 to index
        %parallel_loop3A_200 = arith.index_cast %parallel_loop3A_127 : i32 to index
        %parallel_loop3A_201 = arith.index_cast %parallel_loop3A_197 : i32 to index
        %parallel_loop3A_202 = arith.index_cast %parallel_loop3A_131 : i32 to index
        %parallel_loop3A_203 = tpu.vector_load %arg7[%parallel_loop3A_198, %parallel_loop3A_199, %parallel_loop3A_200, %parallel_loop3A_201, %parallel_loop3A_202] {strides = array<i32>} : memref<2x4x4x8x128xf32, #tpu.memory_space<vmem>>, vector<16xf32>,
        tpu.vector_store %arg7[%parallel_loop3A_198, %parallel_loop3A_199, %parallel_loop3A_200, %parallel_loop3A_201, %parallel_loop3A_202], %parallel_loop3A_195 {strides = array<i32>} : memref<2x4x4x8x128xf32, #tpu.memory_space<vmem>>, vector<16xf32>,
        %parallel_loop3A_204 = arith.constant 6 : i32
        %parallel_loop3A_205 = vector.broadcast %parallel_loop3A_204 : i32 to vector<16xi32>
        %parallel_loop3A_206 = arith.addi %parallel_loop3A_103, %parallel_loop3A_205 : vector<16xi32>
        %parallel_loop3A_207 = tpu.vector_load_idx %arg5[%parallel_loop3A_206] : memref<33033xf32, #tpu.memory_space<vmem>>[vector<16xi32>], vector<16xf32>,
        %parallel_loop3A_208 = arith.constant 0 : i32
        %parallel_loop3A_209 = arith.constant 6 : i32
        %parallel_loop3A_210 = arith.index_cast %rem3A_64 : i32 to index
        %parallel_loop3A_211 = arith.index_cast %parallel_loop3A_208 : i32 to index
        %parallel_loop3A_212 = arith.index_cast %parallel_loop3A_127 : i32 to index
        %parallel_loop3A_213 = arith.index_cast %parallel_loop3A_209 : i32 to index
        %parallel_loop3A_214 = arith.index_cast %parallel_loop3A_131 : i32 to index
        %parallel_loop3A_215 = tpu.vector_load %arg7[%parallel_loop3A_210, %parallel_loop3A_211, %parallel_loop3A_212, %parallel_loop3A_213, %parallel_loop3A_214] {strides = array<i32>} : memref<2x4x4x8x128xf32, #tpu.memory_space<vmem>>, vector<16xf32>,
        tpu.vector_store %arg7[%parallel_loop3A_210, %parallel_loop3A_211, %parallel_loop3A_212, %parallel_loop3A_213, %parallel_loop3A_214], %parallel_loop3A_207 {strides = array<i32>} : memref<2x4x4x8x128xf32, #tpu.memory_space<vmem>>, vector<16xf32>,
        %parallel_loop3A_216 = arith.constant 7 : i32
        %parallel_loop3A_217 = vector.broadcast %parallel_loop3A_216 : i32 to vector<16xi32>
        %parallel_loop3A_218 = arith.addi %parallel_loop3A_103, %parallel_loop3A_217 : vector<16xi32>
        %parallel_loop3A_219 = tpu.vector_load_idx %arg5[%parallel_loop3A_218] : memref<33033xf32, #tpu.memory_space<vmem>>[vector<16xi32>], vector<16xf32>,
        %parallel_loop3A_220 = arith.constant 0 : i32
        %parallel_loop3A_221 = arith.constant 7 : i32
        %parallel_loop3A_222 = arith.index_cast %rem3A_64 : i32 to index
        %parallel_loop3A_223 = arith.index_cast %parallel_loop3A_220 : i32 to index
        %parallel_loop3A_224 = arith.index_cast %parallel_loop3A_127 : i32 to index
        %parallel_loop3A_225 = arith.index_cast %parallel_loop3A_221 : i32 to index
        %parallel_loop3A_226 = arith.index_cast %parallel_loop3A_131 : i32 to index
        %parallel_loop3A_227 = tpu.vector_load %arg7[%parallel_loop3A_222, %parallel_loop3A_223, %parallel_loop3A_224, %parallel_loop3A_225, %parallel_loop3A_226] {strides = array<i32>} : memref<2x4x4x8x128xf32, #tpu.memory_space<vmem>>, vector<16xf32>,
        tpu.vector_store %arg7[%parallel_loop3A_222, %parallel_loop3A_223, %parallel_loop3A_224, %parallel_loop3A_225, %parallel_loop3A_226], %parallel_loop3A_219 {strides = array<i32>} : memref<2x4x4x8x128xf32, #tpu.memory_space<vmem>>, vector<16xf32>,
        %parallel_loop3A_228 = arith.constant 8 : i32
        %parallel_loop3A_229 = vector.broadcast %parallel_loop3A_228 : i32 to vector<16xi32>
        %parallel_loop3A_230 = arith.addi %parallel_loop3A_103, %parallel_loop3A_229 : vector<16xi32>
        %parallel_loop3A_231 = tpu.vector_load_idx %arg5[%parallel_loop3A_230] : memref<33033xf32, #tpu.memory_space<vmem>>[vector<16xi32>], vector<16xf32>,
        %parallel_loop3A_232 = arith.constant 1 : i32
        %parallel_loop3A_233 = arith.constant 0 : i32
        %parallel_loop3A_234 = arith.index_cast %rem3A_64 : i32 to index
        %parallel_loop3A_235 = arith.index_cast %parallel_loop3A_232 : i32 to index
        %parallel_loop3A_236 = arith.index_cast %parallel_loop3A_127 : i32 to index
        %parallel_loop3A_237 = arith.index_cast %parallel_loop3A_233 : i32 to index
        %parallel_loop3A_238 = arith.index_cast %parallel_loop3A_131 : i32 to index
        %parallel_loop3A_239 = tpu.vector_load %arg7[%parallel_loop3A_234, %parallel_loop3A_235, %parallel_loop3A_236, %parallel_loop3A_237, %parallel_loop3A_238] {strides = array<i32>} : memref<2x4x4x8x128xf32, #tpu.memory_space<vmem>>, vector<16xf32>,
        tpu.vector_store %arg7[%parallel_loop3A_234, %parallel_loop3A_235, %parallel_loop3A_236, %parallel_loop3A_237, %parallel_loop3A_238], %parallel_loop3A_231 {strides = array<i32>} : memref<2x4x4x8x128xf32, #tpu.memory_space<vmem>>, vector<16xf32>,
        %parallel_loop3A_240 = arith.constant 9 : i32
        %parallel_loop3A_241 = vector.broadcast %parallel_loop3A_240 : i32 to vector<16xi32>
        %parallel_loop3A_242 = arith.addi %parallel_loop3A_103, %parallel_loop3A_241 : vector<16xi32>
        %parallel_loop3A_243 = tpu.vector_load_idx %arg5[%parallel_loop3A_242] : memref<33033xf32, #tpu.memory_space<vmem>>[vector<16xi32>], vector<16xf32>,
        %parallel_loop3A_244 = arith.constant 1 : i32
        %parallel_loop3A_245 = arith.constant 1 : i32
        %parallel_loop3A_246 = arith.index_cast %rem3A_64 : i32 to index
        %parallel_loop3A_247 = arith.index_cast %parallel_loop3A_244 : i32 to index
        %parallel_loop3A_248 = arith.index_cast %parallel_loop3A_127 : i32 to index
        %parallel_loop3A_249 = arith.index_cast %parallel_loop3A_245 : i32 to index
        %parallel_loop3A_250 = arith.index_cast %parallel_loop3A_131 : i32 to index
        %parallel_loop3A_251 = tpu.vector_load %arg7[%parallel_loop3A_246, %parallel_loop3A_247, %parallel_loop3A_248, %parallel_loop3A_249, %parallel_loop3A_250] {strides = array<i32>} : memref<2x4x4x8x128xf32, #tpu.memory_space<vmem>>, vector<16xf32>,
        tpu.vector_store %arg7[%parallel_loop3A_246, %parallel_loop3A_247, %parallel_loop3A_248, %parallel_loop3A_249, %parallel_loop3A_250], %parallel_loop3A_243 {strides = array<i32>} : memref<2x4x4x8x128xf32, #tpu.memory_space<vmem>>, vector<16xf32>,
        %parallel_loop3A_252 = arith.constant 10 : i32
        %parallel_loop3A_253 = vector.broadcast %parallel_loop3A_252 : i32 to vector<16xi32>
        %parallel_loop3A_254 = arith.addi %parallel_loop3A_103, %parallel_loop3A_253 : vector<16xi32>
        %parallel_loop3A_255 = tpu.vector_load_idx %arg5[%parallel_loop3A_254] : memref<33033xf32, #tpu.memory_space<vmem>>[vector<16xi32>], vector<16xf32>,
        %parallel_loop3A_256 = arith.constant 1 : i32
        %parallel_loop3A_257 = arith.constant 2 : i32
        %parallel_loop3A_258 = arith.index_cast %rem3A_64 : i32 to index
        %parallel_loop3A_259 = arith.index_cast %parallel_loop3A_256 : i32 to index
        %parallel_loop3A_260 = arith.index_cast %parallel_loop3A_127 : i32 to index
        %parallel_loop3A_261 = arith.index_cast %parallel_loop3A_257 : i32 to index
        %parallel_loop3A_262 = arith.index_cast %parallel_loop3A_131 : i32 to index
        %parallel_loop3A_263 = tpu.vector_load %arg7[%parallel_loop3A_258, %parallel_loop3A_259, %parallel_loop3A_260, %parallel_loop3A_261, %parallel_loop3A_262] {strides = array<i32>} : memref<2x4x4x8x128xf32, #tpu.memory_space<vmem>>, vector<16xf32>,
        tpu.vector_store %arg7[%parallel_loop3A_258, %parallel_loop3A_259, %parallel_loop3A_260, %parallel_loop3A_261, %parallel_loop3A_262], %parallel_loop3A_255 {strides = array<i32>} : memref<2x4x4x8x128xf32, #tpu.memory_space<vmem>>, vector<16xf32>,
        %parallel_loop3A_264 = arith.constant 11 : i32
        %parallel_loop3A_265 = vector.broadcast %parallel_loop3A_264 : i32 to vector<16xi32>
        %parallel_loop3A_266 = arith.addi %parallel_loop3A_103, %parallel_loop3A_265 : vector<16xi32>
        %parallel_loop3A_267 = tpu.vector_load_idx %arg5[%parallel_loop3A_266] : memref<33033xf32, #tpu.memory_space<vmem>>[vector<16xi32>], vector<16xf32>,
        %parallel_loop3A_268 = arith.constant 1 : i32
        %parallel_loop3A_269 = arith.constant 3 : i32
        %parallel_loop3A_270 = arith.index_cast %rem3A_64 : i32 to index
        %parallel_loop3A_271 = arith.index_cast %parallel_loop3A_268 : i32 to index
        %parallel_loop3A_272 = arith.index_cast %parallel_loop3A_127 : i32 to index
        %parallel_loop3A_273 = arith.index_cast %parallel_loop3A_269 : i32 to index
        %parallel_loop3A_274 = arith.index_cast %parallel_loop3A_131 : i32 to index
        %parallel_loop3A_275 = tpu.vector_load %arg7[%parallel_loop3A_270, %parallel_loop3A_271, %parallel_loop3A_272, %parallel_loop3A_273, %parallel_loop3A_274] {strides = array<i32>} : memref<2x4x4x8x128xf32, #tpu.memory_space<vmem>>, vector<16xf32>,
        tpu.vector_store %arg7[%parallel_loop3A_270, %parallel_loop3A_271, %parallel_loop3A_272, %parallel_loop3A_273, %parallel_loop3A_274], %parallel_loop3A_267 {strides = array<i32>} : memref<2x4x4x8x128xf32, #tpu.memory_space<vmem>>, vector<16xf32>,
        %parallel_loop3A_276 = arith.constant 12 : i32
        %parallel_loop3A_277 = vector.broadcast %parallel_loop3A_276 : i32 to vector<16xi32>
        %parallel_loop3A_278 = arith.addi %parallel_loop3A_103, %parallel_loop3A_277 : vector<16xi32>
        %parallel_loop3A_279 = tpu.vector_load_idx %arg5[%parallel_loop3A_278] : memref<33033xf32, #tpu.memory_space<vmem>>[vector<16xi32>], vector<16xf32>,
        %parallel_loop3A_280 = arith.constant 1 : i32
        %parallel_loop3A_281 = arith.constant 4 : i32
        %parallel_loop3A_282 = arith.index_cast %rem3A_64 : i32 to index
        %parallel_loop3A_283 = arith.index_cast %parallel_loop3A_280 : i32 to index
        %parallel_loop3A_284 = arith.index_cast %parallel_loop3A_127 : i32 to index
        %parallel_loop3A_285 = arith.index_cast %parallel_loop3A_281 : i32 to index
        %parallel_loop3A_286 = arith.index_cast %parallel_loop3A_131 : i32 to index
        %parallel_loop3A_287 = tpu.vector_load %arg7[%parallel_loop3A_282, %parallel_loop3A_283, %parallel_loop3A_284, %parallel_loop3A_285, %parallel_loop3A_286] {strides = array<i32>} : memref<2x4x4x8x128xf32, #tpu.memory_space<vmem>>, vector<16xf32>,
        tpu.vector_store %arg7[%parallel_loop3A_282, %parallel_loop3A_283, %parallel_loop3A_284, %parallel_loop3A_285, %parallel_loop3A_286], %parallel_loop3A_279 {strides = array<i32>} : memref<2x4x4x8x128xf32, #tpu.memory_space<vmem>>, vector<16xf32>,
        %parallel_loop3A_288 = arith.constant 13 : i32
        %parallel_loop3A_289 = vector.broadcast %parallel_loop3A_288 : i32 to vector<16xi32>
        %parallel_loop3A_290 = arith.addi %parallel_loop3A_103, %parallel_loop3A_289 : vector<16xi32>
        %parallel_loop3A_291 = tpu.vector_load_idx %arg5[%parallel_loop3A_290] : memref<33033xf32, #tpu.memory_space<vmem>>[vector<16xi32>], vector<16xf32>,
        %parallel_loop3A_292 = arith.constant 1 : i32
        %parallel_loop3A_293 = arith.constant 5 : i32
        %parallel_loop3A_294 = arith.index_cast %rem3A_64 : i32 to index
        %parallel_loop3A_295 = arith.index_cast %parallel_loop3A_292 : i32 to index
        %parallel_loop3A_296 = arith.index_cast %parallel_loop3A_127 : i32 to index
        %parallel_loop3A_297 = arith.index_cast %parallel_loop3A_293 : i32 to index
        %parallel_loop3A_298 = arith.index_cast %parallel_loop3A_131 : i32 to index
        %parallel_loop3A_299 = tpu.vector_load %arg7[%parallel_loop3A_294, %parallel_loop3A_295, %parallel_loop3A_296, %parallel_loop3A_297, %parallel_loop3A_298] {strides = array<i32>} : memref<2x4x4x8x128xf32, #tpu.memory_space<vmem>>, vector<16xf32>,
        tpu.vector_store %arg7[%parallel_loop3A_294, %parallel_loop3A_295, %parallel_loop3A_296, %parallel_loop3A_297, %parallel_loop3A_298], %parallel_loop3A_291 {strides = array<i32>} : memref<2x4x4x8x128xf32, #tpu.memory_space<vmem>>, vector<16xf32>,
        %parallel_loop3A_300 = arith.constant 14 : i32
        %parallel_loop3A_301 = vector.broadcast %parallel_loop3A_300 : i32 to vector<16xi32>
        %parallel_loop3A_302 = arith.addi %parallel_loop3A_103, %parallel_loop3A_301 : vector<16xi32>
        %parallel_loop3A_303 = tpu.vector_load_idx %arg5[%parallel_loop3A_302] : memref<33033xf32, #tpu.memory_space<vmem>>[vector<16xi32>], vector<16xf32>,
        %parallel_loop3A_304 = arith.constant 1 : i32
        %parallel_loop3A_305 = arith.constant 6 : i32
        %parallel_loop3A_306 = arith.index_cast %rem3A_64 : i32 to index
        %parallel_loop3A_307 = arith.index_cast %parallel_loop3A_304 : i32 to index
        %parallel_loop3A_308 = arith.index_cast %parallel_loop3A_127 : i32 to index
        %parallel_loop3A_309 = arith.index_cast %parallel_loop3A_305 : i32 to index
        %parallel_loop3A_310 = arith.index_cast %parallel_loop3A_131 : i32 to index
        %parallel_loop3A_311 = tpu.vector_load %arg7[%parallel_loop3A_306, %parallel_loop3A_307, %parallel_loop3A_308, %parallel_loop3A_309, %parallel_loop3A_310] {strides = array<i32>} : memref<2x4x4x8x128xf32, #tpu.memory_space<vmem>>, vector<16xf32>,
        tpu.vector_store %arg7[%parallel_loop3A_306, %parallel_loop3A_307, %parallel_loop3A_308, %parallel_loop3A_309, %parallel_loop3A_310], %parallel_loop3A_303 {strides = array<i32>} : memref<2x4x4x8x128xf32, #tpu.memory_space<vmem>>, vector<16xf32>,
        %parallel_loop3A_312 = arith.constant 15 : i32
        %parallel_loop3A_313 = vector.broadcast %parallel_loop3A_312 : i32 to vector<16xi32>
        %parallel_loop3A_314 = arith.addi %parallel_loop3A_103, %parallel_loop3A_313 : vector<16xi32>
        %parallel_loop3A_315 = tpu.vector_load_idx %arg5[%parallel_loop3A_314] : memref<33033xf32, #tpu.memory_space<vmem>>[vector<16xi32>], vector<16xf32>,
        %parallel_loop3A_316 = arith.constant 1 : i32
        %parallel_loop3A_317 = arith.constant 7 : i32
        %parallel_loop3A_318 = arith.index_cast %rem3A_64 : i32 to index
        %parallel_loop3A_319 = arith.index_cast %parallel_loop3A_316 : i32 to index
        %parallel_loop3A_320 = arith.index_cast %parallel_loop3A_127 : i32 to index
        %parallel_loop3A_321 = arith.index_cast %parallel_loop3A_317 : i32 to index
        %parallel_loop3A_322 = arith.index_cast %parallel_loop3A_131 : i32 to index
        %parallel_loop3A_323 = tpu.vector_load %arg7[%parallel_loop3A_318, %parallel_loop3A_319, %parallel_loop3A_320, %parallel_loop3A_321, %parallel_loop3A_322] {strides = array<i32>} : memref<2x4x4x8x128xf32, #tpu.memory_space<vmem>>, vector<16xf32>,
        tpu.vector_store %arg7[%parallel_loop3A_318, %parallel_loop3A_319, %parallel_loop3A_320, %parallel_loop3A_321, %parallel_loop3A_322], %parallel_loop3A_315 {strides = array<i32>} : memref<2x4x4x8x128xf32, #tpu.memory_space<vmem>>, vector<16xf32>,
        %parallel_loop3A_324 = arith.constant 16 : i32
        %parallel_loop3A_325 = vector.broadcast %parallel_loop3A_324 : i32 to vector<16xi32>
        %parallel_loop3A_326 = arith.addi %parallel_loop3A_103, %parallel_loop3A_325 : vector<16xi32>
        %parallel_loop3A_327 = tpu.vector_load_idx %arg5[%parallel_loop3A_326] : memref<33033xf32, #tpu.memory_space<vmem>>[vector<16xi32>], vector<16xf32>,
        %parallel_loop3A_328 = arith.constant 2 : i32
        %parallel_loop3A_329 = arith.constant 0 : i32
        %parallel_loop3A_330 = arith.index_cast %rem3A_64 : i32 to index
        %parallel_loop3A_331 = arith.index_cast %parallel_loop3A_328 : i32 to index
        %parallel_loop3A_332 = arith.index_cast %parallel_loop3A_127 : i32 to index
        %parallel_loop3A_333 = arith.index_cast %parallel_loop3A_329 : i32 to index
        %parallel_loop3A_334 = arith.index_cast %parallel_loop3A_131 : i32 to index
        %parallel_loop3A_335 = tpu.vector_load %arg7[%parallel_loop3A_330, %parallel_loop3A_331, %parallel_loop3A_332, %parallel_loop3A_333, %parallel_loop3A_334] {strides = array<i32>} : memref<2x4x4x8x128xf32, #tpu.memory_space<vmem>>, vector<16xf32>,
        tpu.vector_store %arg7[%parallel_loop3A_330, %parallel_loop3A_331, %parallel_loop3A_332, %parallel_loop3A_333, %parallel_loop3A_334], %parallel_loop3A_327 {strides = array<i32>} : memref<2x4x4x8x128xf32, #tpu.memory_space<vmem>>, vector<16xf32>,
        %parallel_loop3A_336 = arith.constant 17 : i32
        %parallel_loop3A_337 = vector.broadcast %parallel_loop3A_336 : i32 to vector<16xi32>
        %parallel_loop3A_338 = arith.addi %parallel_loop3A_103, %parallel_loop3A_337 : vector<16xi32>
        %parallel_loop3A_339 = tpu.vector_load_idx %arg5[%parallel_loop3A_338] : memref<33033xf32, #tpu.memory_space<vmem>>[vector<16xi32>], vector<16xf32>,
        %parallel_loop3A_340 = arith.constant 2 : i32
        %parallel_loop3A_341 = arith.constant 1 : i32
        %parallel_loop3A_342 = arith.index_cast %rem3A_64 : i32 to index
        %parallel_loop3A_343 = arith.index_cast %parallel_loop3A_340 : i32 to index
        %parallel_loop3A_344 = arith.index_cast %parallel_loop3A_127 : i32 to index
        %parallel_loop3A_345 = arith.index_cast %parallel_loop3A_341 : i32 to index
        %parallel_loop3A_346 = arith.index_cast %parallel_loop3A_131 : i32 to index
        %parallel_loop3A_347 = tpu.vector_load %arg7[%parallel_loop3A_342, %parallel_loop3A_343, %parallel_loop3A_344, %parallel_loop3A_345, %parallel_loop3A_346] {strides = array<i32>} : memref<2x4x4x8x128xf32, #tpu.memory_space<vmem>>, vector<16xf32>,
        tpu.vector_store %arg7[%parallel_loop3A_342, %parallel_loop3A_343, %parallel_loop3A_344, %parallel_loop3A_345, %parallel_loop3A_346], %parallel_loop3A_339 {strides = array<i32>} : memref<2x4x4x8x128xf32, #tpu.memory_space<vmem>>, vector<16xf32>,
        %parallel_loop3A_348 = arith.constant 18 : i32
        %parallel_loop3A_349 = vector.broadcast %parallel_loop3A_348 : i32 to vector<16xi32>
        %parallel_loop3A_350 = arith.addi %parallel_loop3A_103, %parallel_loop3A_349 : vector<16xi32>
        %parallel_loop3A_351 = tpu.vector_load_idx %arg5[%parallel_loop3A_350] : memref<33033xf32, #tpu.memory_space<vmem>>[vector<16xi32>], vector<16xf32>,
        %parallel_loop3A_352 = arith.constant 2 : i32
        %parallel_loop3A_353 = arith.constant 2 : i32
        %parallel_loop3A_354 = arith.index_cast %rem3A_64 : i32 to index
        %parallel_loop3A_355 = arith.index_cast %parallel_loop3A_352 : i32 to index
        %parallel_loop3A_356 = arith.index_cast %parallel_loop3A_127 : i32 to index
        %parallel_loop3A_357 = arith.index_cast %parallel_loop3A_353 : i32 to index
        %parallel_loop3A_358 = arith.index_cast %parallel_loop3A_131 : i32 to index
        %parallel_loop3A_359 = tpu.vector_load %arg7[%parallel_loop3A_354, %parallel_loop3A_355, %parallel_loop3A_356, %parallel_loop3A_357, %parallel_loop3A_358] {strides = array<i32>} : memref<2x4x4x8x128xf32, #tpu.memory_space<vmem>>, vector<16xf32>,
        tpu.vector_store %arg7[%parallel_loop3A_354, %parallel_loop3A_355, %parallel_loop3A_356, %parallel_loop3A_357, %parallel_loop3A_358], %parallel_loop3A_351 {strides = array<i32>} : memref<2x4x4x8x128xf32, #tpu.memory_space<vmem>>, vector<16xf32>,
        %parallel_loop3A_360 = arith.constant 19 : i32
        %parallel_loop3A_361 = vector.broadcast %parallel_loop3A_360 : i32 to vector<16xi32>
        %parallel_loop3A_362 = arith.addi %parallel_loop3A_103, %parallel_loop3A_361 : vector<16xi32>
        %parallel_loop3A_363 = tpu.vector_load_idx %arg5[%parallel_loop3A_362] : memref<33033xf32, #tpu.memory_space<vmem>>[vector<16xi32>], vector<16xf32>,
        %parallel_loop3A_364 = arith.constant 2 : i32
        %parallel_loop3A_365 = arith.constant 3 : i32
        %parallel_loop3A_366 = arith.index_cast %rem3A_64 : i32 to index
        %parallel_loop3A_367 = arith.index_cast %parallel_loop3A_364 : i32 to index
        %parallel_loop3A_368 = arith.index_cast %parallel_loop3A_127 : i32 to index
        %parallel_loop3A_369 = arith.index_cast %parallel_loop3A_365 : i32 to index
        %parallel_loop3A_370 = arith.index_cast %parallel_loop3A_131 : i32 to index
        %parallel_loop3A_371 = tpu.vector_load %arg7[%parallel_loop3A_366, %parallel_loop3A_367, %parallel_loop3A_368, %parallel_loop3A_369, %parallel_loop3A_370] {strides = array<i32>} : memref<2x4x4x8x128xf32, #tpu.memory_space<vmem>>, vector<16xf32>,
        tpu.vector_store %arg7[%parallel_loop3A_366, %parallel_loop3A_367, %parallel_loop3A_368, %parallel_loop3A_369, %parallel_loop3A_370], %parallel_loop3A_363 {strides = array<i32>} : memref<2x4x4x8x128xf32, #tpu.memory_space<vmem>>, vector<16xf32>,
        %parallel_loop3A_372 = arith.constant 20 : i32
        %parallel_loop3A_373 = vector.broadcast %parallel_loop3A_372 : i32 to vector<16xi32>
        %parallel_loop3A_374 = arith.addi %parallel_loop3A_103, %parallel_loop3A_373 : vector<16xi32>
        %parallel_loop3A_375 = tpu.vector_load_idx %arg5[%parallel_loop3A_374] : memref<33033xf32, #tpu.memory_space<vmem>>[vector<16xi32>], vector<16xf32>,
        %parallel_loop3A_376 = arith.constant 2 : i32
        %parallel_loop3A_377 = arith.constant 4 : i32
        %parallel_loop3A_378 = arith.index_cast %rem3A_64 : i32 to index
        %parallel_loop3A_379 = arith.index_cast %parallel_loop3A_376 : i32 to index
        %parallel_loop3A_380 = arith.index_cast %parallel_loop3A_127 : i32 to index
        %parallel_loop3A_381 = arith.index_cast %parallel_loop3A_377 : i32 to index
        %parallel_loop3A_382 = arith.index_cast %parallel_loop3A_131 : i32 to index
        %parallel_loop3A_383 = tpu.vector_load %arg7[%parallel_loop3A_378, %parallel_loop3A_379, %parallel_loop3A_380, %parallel_loop3A_381, %parallel_loop3A_382] {strides = array<i32>} : memref<2x4x4x8x128xf32, #tpu.memory_space<vmem>>, vector<16xf32>,
        tpu.vector_store %arg7[%parallel_loop3A_378, %parallel_loop3A_379, %parallel_loop3A_380, %parallel_loop3A_381, %parallel_loop3A_382], %parallel_loop3A_375 {strides = array<i32>} : memref<2x4x4x8x128xf32, #tpu.memory_space<vmem>>, vector<16xf32>,
        %parallel_loop3A_384 = arith.constant 21 : i32
        %parallel_loop3A_385 = vector.broadcast %parallel_loop3A_384 : i32 to vector<16xi32>
        %parallel_loop3A_386 = arith.addi %parallel_loop3A_103, %parallel_loop3A_385 : vector<16xi32>
        %parallel_loop3A_387 = tpu.vector_load_idx %arg5[%parallel_loop3A_386] : memref<33033xf32, #tpu.memory_space<vmem>>[vector<16xi32>], vector<16xf32>,
        %parallel_loop3A_388 = arith.constant 2 : i32
        %parallel_loop3A_389 = arith.constant 5 : i32
        %parallel_loop3A_390 = arith.index_cast %rem3A_64 : i32 to index
        %parallel_loop3A_391 = arith.index_cast %parallel_loop3A_388 : i32 to index
        %parallel_loop3A_392 = arith.index_cast %parallel_loop3A_127 : i32 to index
        %parallel_loop3A_393 = arith.index_cast %parallel_loop3A_389 : i32 to index
        %parallel_loop3A_394 = arith.index_cast %parallel_loop3A_131 : i32 to index
        %parallel_loop3A_395 = tpu.vector_load %arg7[%parallel_loop3A_390, %parallel_loop3A_391, %parallel_loop3A_392, %parallel_loop3A_393, %parallel_loop3A_394] {strides = array<i32>} : memref<2x4x4x8x128xf32, #tpu.memory_space<vmem>>, vector<16xf32>,
        tpu.vector_store %arg7[%parallel_loop3A_390, %parallel_loop3A_391, %parallel_loop3A_392, %parallel_loop3A_393, %parallel_loop3A_394], %parallel_loop3A_387 {strides = array<i32>} : memref<2x4x4x8x128xf32, #tpu.memory_space<vmem>>, vector<16xf32>,
        %parallel_loop3A_396 = arith.constant 22 : i32
        %parallel_loop3A_397 = vector.broadcast %parallel_loop3A_396 : i32 to vector<16xi32>
        %parallel_loop3A_398 = arith.addi %parallel_loop3A_103, %parallel_loop3A_397 : vector<16xi32>
        %parallel_loop3A_399 = tpu.vector_load_idx %arg5[%parallel_loop3A_398] : memref<33033xf32, #tpu.memory_space<vmem>>[vector<16xi32>], vector<16xf32>,
        %parallel_loop3A_400 = arith.constant 2 : i32
        %parallel_loop3A_401 = arith.constant 6 : i32
        %parallel_loop3A_402 = arith.index_cast %rem3A_64 : i32 to index
        %parallel_loop3A_403 = arith.index_cast %parallel_loop3A_400 : i32 to index
        %parallel_loop3A_404 = arith.index_cast %parallel_loop3A_127 : i32 to index
        %parallel_loop3A_405 = arith.index_cast %parallel_loop3A_401 : i32 to index
        %parallel_loop3A_406 = arith.index_cast %parallel_loop3A_131 : i32 to index
        %parallel_loop3A_407 = tpu.vector_load %arg7[%parallel_loop3A_402, %parallel_loop3A_403, %parallel_loop3A_404, %parallel_loop3A_405, %parallel_loop3A_406] {strides = array<i32>} : memref<2x4x4x8x128xf32, #tpu.memory_space<vmem>>, vector<16xf32>,
        tpu.vector_store %arg7[%parallel_loop3A_402, %parallel_loop3A_403, %parallel_loop3A_404, %parallel_loop3A_405, %parallel_loop3A_406], %parallel_loop3A_399 {strides = array<i32>} : memref<2x4x4x8x128xf32, #tpu.memory_space<vmem>>, vector<16xf32>,
        %parallel_loop3A_408 = arith.constant 23 : i32
        %parallel_loop3A_409 = vector.broadcast %parallel_loop3A_408 : i32 to vector<16xi32>
        %parallel_loop3A_410 = arith.addi %parallel_loop3A_103, %parallel_loop3A_409 : vector<16xi32>
        %parallel_loop3A_411 = tpu.vector_load_idx %arg5[%parallel_loop3A_410] : memref<33033xf32, #tpu.memory_space<vmem>>[vector<16xi32>], vector<16xf32>,
        %parallel_loop3A_412 = arith.constant 2 : i32
        %parallel_loop3A_413 = arith.constant 7 : i32
        %parallel_loop3A_414 = arith.index_cast %rem3A_64 : i32 to index
        %parallel_loop3A_415 = arith.index_cast %parallel_loop3A_412 : i32 to index
        %parallel_loop3A_416 = arith.index_cast %parallel_loop3A_127 : i32 to index
        %parallel_loop3A_417 = arith.index_cast %parallel_loop3A_413 : i32 to index
        %parallel_loop3A_418 = arith.index_cast %parallel_loop3A_131 : i32 to index
        %parallel_loop3A_419 = tpu.vector_load %arg7[%parallel_loop3A_414, %parallel_loop3A_415, %parallel_loop3A_416, %parallel_loop3A_417, %parallel_loop3A_418] {strides = array<i32>} : memref<2x4x4x8x128xf32, #tpu.memory_space<vmem>>, vector<16xf32>,
        tpu.vector_store %arg7[%parallel_loop3A_414, %parallel_loop3A_415, %parallel_loop3A_416, %parallel_loop3A_417, %parallel_loop3A_418], %parallel_loop3A_411 {strides = array<i32>} : memref<2x4x4x8x128xf32, #tpu.memory_space<vmem>>, vector<16xf32>,
        %parallel_loop3A_420 = arith.constant 24 : i32
        %parallel_loop3A_421 = vector.broadcast %parallel_loop3A_420 : i32 to vector<16xi32>
        %parallel_loop3A_422 = arith.addi %parallel_loop3A_103, %parallel_loop3A_421 : vector<16xi32>
        %parallel_loop3A_423 = tpu.vector_load_idx %arg5[%parallel_loop3A_422] : memref<33033xf32, #tpu.memory_space<vmem>>[vector<16xi32>], vector<16xf32>,
        %parallel_loop3A_424 = arith.constant 3 : i32
        %parallel_loop3A_425 = arith.constant 0 : i32
        %parallel_loop3A_426 = arith.index_cast %rem3A_64 : i32 to index
        %parallel_loop3A_427 = arith.index_cast %parallel_loop3A_424 : i32 to index
        %parallel_loop3A_428 = arith.index_cast %parallel_loop3A_127 : i32 to index
        %parallel_loop3A_429 = arith.index_cast %parallel_loop3A_425 : i32 to index
        %parallel_loop3A_430 = arith.index_cast %parallel_loop3A_131 : i32 to index
        %parallel_loop3A_431 = tpu.vector_load %arg7[%parallel_loop3A_426, %parallel_loop3A_427, %parallel_loop3A_428, %parallel_loop3A_429, %parallel_loop3A_430] {strides = array<i32>} : memref<2x4x4x8x128xf32, #tpu.memory_space<vmem>>, vector<16xf32>,
        tpu.vector_store %arg7[%parallel_loop3A_426, %parallel_loop3A_427, %parallel_loop3A_428, %parallel_loop3A_429, %parallel_loop3A_430], %parallel_loop3A_423 {strides = array<i32>} : memref<2x4x4x8x128xf32, #tpu.memory_space<vmem>>, vector<16xf32>,
        %parallel_loop3A_432 = arith.constant 25 : i32
        %parallel_loop3A_433 = vector.broadcast %parallel_loop3A_432 : i32 to vector<16xi32>
        %parallel_loop3A_434 = arith.addi %parallel_loop3A_103, %parallel_loop3A_433 : vector<16xi32>
        %parallel_loop3A_435 = tpu.vector_load_idx %arg5[%parallel_loop3A_434] : memref<33033xf32, #tpu.memory_space<vmem>>[vector<16xi32>], vector<16xf32>,
        %parallel_loop3A_436 = arith.constant 3 : i32
        %parallel_loop3A_437 = arith.constant 1 : i32
        %parallel_loop3A_438 = arith.index_cast %rem3A_64 : i32 to index
        %parallel_loop3A_439 = arith.index_cast %parallel_loop3A_436 : i32 to index
        %parallel_loop3A_440 = arith.index_cast %parallel_loop3A_127 : i32 to index
        %parallel_loop3A_441 = arith.index_cast %parallel_loop3A_437 : i32 to index
        %parallel_loop3A_442 = arith.index_cast %parallel_loop3A_131 : i32 to index
        %parallel_loop3A_443 = tpu.vector_load %arg7[%parallel_loop3A_438, %parallel_loop3A_439, %parallel_loop3A_440, %parallel_loop3A_441, %parallel_loop3A_442] {strides = array<i32>} : memref<2x4x4x8x128xf32, #tpu.memory_space<vmem>>, vector<16xf32>,
        tpu.vector_store %arg7[%parallel_loop3A_438, %parallel_loop3A_439, %parallel_loop3A_440, %parallel_loop3A_441, %parallel_loop3A_442], %parallel_loop3A_435 {strides = array<i32>} : memref<2x4x4x8x128xf32, #tpu.memory_space<vmem>>, vector<16xf32>,
        %parallel_loop3A_444 = arith.constant 26 : i32
        %parallel_loop3A_445 = vector.broadcast %parallel_loop3A_444 : i32 to vector<16xi32>
        %parallel_loop3A_446 = arith.addi %parallel_loop3A_103, %parallel_loop3A_445 : vector<16xi32>
        %parallel_loop3A_447 = tpu.vector_load_idx %arg5[%parallel_loop3A_446] : memref<33033xf32, #tpu.memory_space<vmem>>[vector<16xi32>], vector<16xf32>,
        %parallel_loop3A_448 = arith.constant 3 : i32
        %parallel_loop3A_449 = arith.constant 2 : i32
        %parallel_loop3A_450 = arith.index_cast %rem3A_64 : i32 to index
        %parallel_loop3A_451 = arith.index_cast %parallel_loop3A_448 : i32 to index
        %parallel_loop3A_452 = arith.index_cast %parallel_loop3A_127 : i32 to index
        %parallel_loop3A_453 = arith.index_cast %parallel_loop3A_449 : i32 to index
        %parallel_loop3A_454 = arith.index_cast %parallel_loop3A_131 : i32 to index
        %parallel_loop3A_455 = tpu.vector_load %arg7[%parallel_loop3A_450, %parallel_loop3A_451, %parallel_loop3A_452, %parallel_loop3A_453, %parallel_loop3A_454] {strides = array<i32>} : memref<2x4x4x8x128xf32, #tpu.memory_space<vmem>>, vector<16xf32>,
        tpu.vector_store %arg7[%parallel_loop3A_450, %parallel_loop3A_451, %parallel_loop3A_452, %parallel_loop3A_453, %parallel_loop3A_454], %parallel_loop3A_447 {strides = array<i32>} : memref<2x4x4x8x128xf32, #tpu.memory_space<vmem>>, vector<16xf32>,
        %parallel_loop3A_456 = arith.constant 27 : i32
        %parallel_loop3A_457 = vector.broadcast %parallel_loop3A_456 : i32 to vector<16xi32>
        %parallel_loop3A_458 = arith.addi %parallel_loop3A_103, %parallel_loop3A_457 : vector<16xi32>
        %parallel_loop3A_459 = tpu.vector_load_idx %arg5[%parallel_loop3A_458] : memref<33033xf32, #tpu.memory_space<vmem>>[vector<16xi32>], vector<16xf32>,
        %parallel_loop3A_460 = arith.constant 3 : i32
        %parallel_loop3A_461 = arith.constant 3 : i32
        %parallel_loop3A_462 = arith.index_cast %rem3A_64 : i32 to index
        %parallel_loop3A_463 = arith.index_cast %parallel_loop3A_460 : i32 to index
        %parallel_loop3A_464 = arith.index_cast %parallel_loop3A_127 : i32 to index
        %parallel_loop3A_465 = arith.index_cast %parallel_loop3A_461 : i32 to index
        %parallel_loop3A_466 = arith.index_cast %parallel_loop3A_131 : i32 to index
        %parallel_loop3A_467 = tpu.vector_load %arg7[%parallel_loop3A_462, %parallel_loop3A_463, %parallel_loop3A_464, %parallel_loop3A_465, %parallel_loop3A_466] {strides = array<i32>} : memref<2x4x4x8x128xf32, #tpu.memory_space<vmem>>, vector<16xf32>,
        tpu.vector_store %arg7[%parallel_loop3A_462, %parallel_loop3A_463, %parallel_loop3A_464, %parallel_loop3A_465, %parallel_loop3A_466], %parallel_loop3A_459 {strides = array<i32>} : memref<2x4x4x8x128xf32, #tpu.memory_space<vmem>>, vector<16xf32>,
        %parallel_loop3A_468 = arith.constant 28 : i32
        %parallel_loop3A_469 = vector.broadcast %parallel_loop3A_468 : i32 to vector<16xi32>
        %parallel_loop3A_470 = arith.addi %parallel_loop3A_103, %parallel_loop3A_469 : vector<16xi32>
        %parallel_loop3A_471 = tpu.vector_load_idx %arg5[%parallel_loop3A_470] : memref<33033xf32, #tpu.memory_space<vmem>>[vector<16xi32>], vector<16xf32>,
        %parallel_loop3A_472 = arith.constant 3 : i32
        %parallel_loop3A_473 = arith.constant 4 : i32
        %parallel_loop3A_474 = arith.index_cast %rem3A_64 : i32 to index
        %parallel_loop3A_475 = arith.index_cast %parallel_loop3A_472 : i32 to index
        %parallel_loop3A_476 = arith.index_cast %parallel_loop3A_127 : i32 to index
        %parallel_loop3A_477 = arith.index_cast %parallel_loop3A_473 : i32 to index
        %parallel_loop3A_478 = arith.index_cast %parallel_loop3A_131 : i32 to index
        %parallel_loop3A_479 = tpu.vector_load %arg7[%parallel_loop3A_474, %parallel_loop3A_475, %parallel_loop3A_476, %parallel_loop3A_477, %parallel_loop3A_478] {strides = array<i32>} : memref<2x4x4x8x128xf32, #tpu.memory_space<vmem>>, vector<16xf32>,
        tpu.vector_store %arg7[%parallel_loop3A_474, %parallel_loop3A_475, %parallel_loop3A_476, %parallel_loop3A_477, %parallel_loop3A_478], %parallel_loop3A_471 {strides = array<i32>} : memref<2x4x4x8x128xf32, #tpu.memory_space<vmem>>, vector<16xf32>,
        %parallel_loop3A_480 = arith.constant 29 : i32
        %parallel_loop3A_481 = vector.broadcast %parallel_loop3A_480 : i32 to vector<16xi32>
        %parallel_loop3A_482 = arith.addi %parallel_loop3A_103, %parallel_loop3A_481 : vector<16xi32>
        %parallel_loop3A_483 = tpu.vector_load_idx %arg5[%parallel_loop3A_482] : memref<33033xf32, #tpu.memory_space<vmem>>[vector<16xi32>], vector<16xf32>,
        %parallel_loop3A_484 = arith.constant 3 : i32
        %parallel_loop3A_485 = arith.constant 5 : i32
        %parallel_loop3A_486 = arith.index_cast %rem3A_64 : i32 to index
        %parallel_loop3A_487 = arith.index_cast %parallel_loop3A_484 : i32 to index
        %parallel_loop3A_488 = arith.index_cast %parallel_loop3A_127 : i32 to index
        %parallel_loop3A_489 = arith.index_cast %parallel_loop3A_485 : i32 to index
        %parallel_loop3A_490 = arith.index_cast %parallel_loop3A_131 : i32 to index
        %parallel_loop3A_491 = tpu.vector_load %arg7[%parallel_loop3A_486, %parallel_loop3A_487, %parallel_loop3A_488, %parallel_loop3A_489, %parallel_loop3A_490] {strides = array<i32>} : memref<2x4x4x8x128xf32, #tpu.memory_space<vmem>>, vector<16xf32>,
        tpu.vector_store %arg7[%parallel_loop3A_486, %parallel_loop3A_487, %parallel_loop3A_488, %parallel_loop3A_489, %parallel_loop3A_490], %parallel_loop3A_483 {strides = array<i32>} : memref<2x4x4x8x128xf32, #tpu.memory_space<vmem>>, vector<16xf32>,
        %parallel_loop3A_492 = arith.constant 30 : i32
        %parallel_loop3A_493 = vector.broadcast %parallel_loop3A_492 : i32 to vector<16xi32>
        %parallel_loop3A_494 = arith.addi %parallel_loop3A_103, %parallel_loop3A_493 : vector<16xi32>
        %parallel_loop3A_495 = tpu.vector_load_idx %arg5[%parallel_loop3A_494] : memref<33033xf32, #tpu.memory_space<vmem>>[vector<16xi32>], vector<16xf32>,
        %parallel_loop3A_496 = arith.constant 3 : i32
        %parallel_loop3A_497 = arith.constant 6 : i32
        %parallel_loop3A_498 = arith.index_cast %rem3A_64 : i32 to index
        %parallel_loop3A_499 = arith.index_cast %parallel_loop3A_496 : i32 to index
        %parallel_loop3A_500 = arith.index_cast %parallel_loop3A_127 : i32 to index
        %parallel_loop3A_501 = arith.index_cast %parallel_loop3A_497 : i32 to index
        %parallel_loop3A_502 = arith.index_cast %parallel_loop3A_131 : i32 to index
        %parallel_loop3A_503 = tpu.vector_load %arg7[%parallel_loop3A_498, %parallel_loop3A_499, %parallel_loop3A_500, %parallel_loop3A_501, %parallel_loop3A_502] {strides = array<i32>} : memref<2x4x4x8x128xf32, #tpu.memory_space<vmem>>, vector<16xf32>,
        tpu.vector_store %arg7[%parallel_loop3A_498, %parallel_loop3A_499, %parallel_loop3A_500, %parallel_loop3A_501, %parallel_loop3A_502], %parallel_loop3A_495 {strides = array<i32>} : memref<2x4x4x8x128xf32, #tpu.memory_space<vmem>>, vector<16xf32>,
        %parallel_loop3A_504 = arith.constant 31 : i32
        %parallel_loop3A_505 = vector.broadcast %parallel_loop3A_504 : i32 to vector<16xi32>
        %parallel_loop3A_506 = arith.addi %parallel_loop3A_103, %parallel_loop3A_505 : vector<16xi32>
        %parallel_loop3A_507 = tpu.vector_load_idx %arg5[%parallel_loop3A_506] : memref<33033xf32, #tpu.memory_space<vmem>>[vector<16xi32>], vector<16xf32>,
        %parallel_loop3A_508 = arith.constant 3 : i32
        %parallel_loop3A_509 = arith.constant 7 : i32
        %parallel_loop3A_510 = arith.index_cast %rem3A_64 : i32 to index
        %parallel_loop3A_511 = arith.index_cast %parallel_loop3A_508 : i32 to index
        %parallel_loop3A_512 = arith.index_cast %parallel_loop3A_127 : i32 to index
        %parallel_loop3A_513 = arith.index_cast %parallel_loop3A_509 : i32 to index
        %parallel_loop3A_514 = arith.index_cast %parallel_loop3A_131 : i32 to index
        %parallel_loop3A_515 = tpu.vector_load %arg7[%parallel_loop3A_510, %parallel_loop3A_511, %parallel_loop3A_512, %parallel_loop3A_513, %parallel_loop3A_514] {strides = array<i32>} : memref<2x4x4x8x128xf32, #tpu.memory_space<vmem>>, vector<16xf32>,
        tpu.vector_store %arg7[%parallel_loop3A_510, %parallel_loop3A_511, %parallel_loop3A_512, %parallel_loop3A_513, %parallel_loop3A_514], %parallel_loop3A_507 {strides = array<i32>} : memref<2x4x4x8x128xf32, #tpu.memory_space<vmem>>, vector<16xf32>,
      } {sc.loop_unroll_factor = 1 : i64, sc.parallel_access}
      %dma_start3A = arith.constant 0 : i32
      %dma_start3A_69 = arith.constant 0 : i32
      %dma_start3A_70 = arith.constant 0 : i32
      %dma_start3A_71 = arith.constant 0 : i32
      %dma_start3A_72 = tpu.memref_slice %arg7[%rem3A_64, %dma_start3A, %dma_start3A_69, %dma_start3A_70, %dma_start3A_71] : memref<2x4x4x8x128xf32, #tpu.memory_space<vmem>> -> memref<1x4x4x8x128xf32, #tpu.memory_space<vmem>>
      %dma_start3A_73 = tpu.memref_squeeze %dma_start3A_72 : memref<1x4x4x8x128xf32, #tpu.memory_space<vmem>> -> memref<4x4x8x128xf32, #tpu.memory_space<vmem>>
      %dma_start3A_74 = arith.constant 0 : i32
      %dma_start3A_75 = arith.constant 0 : i32
      %dma_start3A_76 = arith.constant 0 : i32
      %dma_start3A_77 = tpu.memref_slice %arg4[%scan3A_63, %dma_start3A_74, %mul3A_4, %dma_start3A_75, %dma_start3A_76] : memref<50x4x128x8x128xf32, #tpu.memory_space<hbm>> -> memref<1x4x4x8x128xf32, #tpu.memory_space<hbm>>
      %dma_start3A_78 = tpu.memref_squeeze %dma_start3A_77 : memref<1x4x4x8x128xf32, #tpu.memory_space<hbm>> -> memref<4x4x8x128xf32, #tpu.memory_space<hbm>>
      %dma_start3A_79 = tpu.memref_slice %arg8[%rem3A_64] : memref<2x!tpu.dma_semaphore, #tpu.memory_space<semaphore_mem>> -> memref<1x!tpu.dma_semaphore, #tpu.memory_space<semaphore_mem>>
      %dma_start3A_80 = tpu.memref_squeeze %dma_start3A_79 : memref<1x!tpu.dma_semaphore, #tpu.memory_space<semaphore_mem>> -> memref<!tpu.dma_semaphore, #tpu.memory_space<semaphore_mem>>
      %dma_start3A_81 = arith.constant 0 : i32
      %dma_start3A_82 = arith.constant 0 : i32
      %dma_start3A_83 = arith.constant 0 : i32
      %dma_start3A_84 = tpu.memref_slice %arg4[%scan3A_63, %dma_start3A_81, %mul3A_4, %dma_start3A_82, %dma_start3A_83] : memref<50x4x128x8x128xf32, #tpu.memory_space<hbm>> -> memref<1x4x4x8x128xf32, #tpu.memory_space<hbm>>
      %dma_start3A_85 = tpu.memref_squeeze %dma_start3A_84 : memref<1x4x4x8x128xf32, #tpu.memory_space<hbm>> -> memref<4x4x8x128xf32, #tpu.memory_space<hbm>>
      %dma_start3A_86 = arith.constant 0 : i32
      %dma_start3A_87 = arith.constant 0 : i32
      %dma_start3A_88 = arith.constant 0 : i32
      %dma_start3A_89 = arith.constant 0 : i32
      %dma_start3A_90 = tpu.memref_slice %arg7[%rem3A_64, %dma_start3A_86, %dma_start3A_87, %dma_start3A_88, %dma_start3A_89] : memref<2x4x4x8x128xf32, #tpu.memory_space<vmem>> -> memref<1x4x4x8x128xf32, #tpu.memory_space<vmem>>
      %dma_start3A_91 = tpu.memref_squeeze %dma_start3A_90 : memref<1x4x4x8x128xf32, #tpu.memory_space<vmem>> -> memref<4x4x8x128xf32, #tpu.memory_space<vmem>>
      tpu.enqueue_dma source(%dma_start3A_91 : memref<4x4x8x128xf32, #tpu.memory_space<vmem>>) target(%dma_start3A_85 : memref<4x4x8x128xf32, #tpu.memory_space<hbm>>) target_semaphore(%dma_start3A_80 : memref<!tpu.dma_semaphore, #tpu.memory_space<semaphore_mem>>)
    }
    %scan3A_9 = arith.constant 50 : i32
    %dma_wait3A = arith.constant 0 : i32
    %dma_wait3A_10 = arith.constant 48 : i32
    %dma_wait3A_11 = arith.constant 0 : i32
    %dma_wait3A_12 = arith.constant 0 : i32
    %dma_wait3A_13 = arith.constant 0 : i32
    %dma_wait3A_14 = arith.constant 0 : i32
    %dma_wait3A_15 = arith.constant 0 : i32
    %dma_wait3A_16 = tpu.memref_slice %arg7[%dma_wait3A, %dma_wait3A_12, %dma_wait3A_13, %dma_wait3A_14, %dma_wait3A_15] : memref<2x4x4x8x128xf32, #tpu.memory_space<vmem>> -> memref<1x4x4x8x128xf32, #tpu.memory_space<vmem>>
    %dma_wait3A_17 = tpu.memref_squeeze %dma_wait3A_16 : memref<1x4x4x8x128xf32, #tpu.memory_space<vmem>> -> memref<4x4x8x128xf32, #tpu.memory_space<vmem>>
    %dma_wait3A_18 = arith.constant 0 : i32
    %dma_wait3A_19 = arith.constant 0 : i32
    %dma_wait3A_20 = arith.constant 0 : i32
    %dma_wait3A_21 = tpu.memref_slice %arg4[%dma_wait3A_10, %dma_wait3A_18, %mul3A_4, %dma_wait3A_19, %dma_wait3A_20] : memref<50x4x128x8x128xf32, #tpu.memory_space<hbm>> -> memref<1x4x4x8x128xf32, #tpu.memory_space<hbm>>
    %dma_wait3A_22 = tpu.memref_squeeze %dma_wait3A_21 : memref<1x4x4x8x128xf32, #tpu.memory_space<hbm>> -> memref<4x4x8x128xf32, #tpu.memory_space<hbm>>
    %dma_wait3A_23 = tpu.memref_slice %arg8[%dma_wait3A_11] : memref<2x!tpu.dma_semaphore, #tpu.memory_space<semaphore_mem>> -> memref<1x!tpu.dma_semaphore, #tpu.memory_space<semaphore_mem>>
    %dma_wait3A_24 = tpu.memref_squeeze %dma_wait3A_23 : memref<1x!tpu.dma_semaphore, #tpu.memory_space<semaphore_mem>> -> memref<!tpu.dma_semaphore, #tpu.memory_space<semaphore_mem>>
    %dma_wait3A_25 = arith.constant 0 : i32
    %dma_wait3A_26 = arith.constant 0 : i32
    %dma_wait3A_27 = arith.constant 0 : i32
    %dma_wait3A_28 = tpu.memref_slice %arg4[%dma_wait3A_10, %dma_wait3A_25, %mul3A_4, %dma_wait3A_26, %dma_wait3A_27] : memref<50x4x128x8x128xf32, #tpu.memory_space<hbm>> -> memref<1x4x4x8x128xf32, #tpu.memory_space<hbm>>
    %dma_wait3A_29 = tpu.memref_squeeze %dma_wait3A_28 : memref<1x4x4x8x128xf32, #tpu.memory_space<hbm>> -> memref<4x4x8x128xf32, #tpu.memory_space<hbm>>
    %dma_wait3A_30 = arith.constant 0 : i32
    %dma_wait3A_31 = arith.constant 0 : i32
    %dma_wait3A_32 = arith.constant 0 : i32
    %dma_wait3A_33 = arith.constant 0 : i32
    %dma_wait3A_34 = tpu.memref_slice %arg7[%dma_wait3A, %dma_wait3A_30, %dma_wait3A_31, %dma_wait3A_32, %dma_wait3A_33] : memref<2x4x4x8x128xf32, #tpu.memory_space<vmem>> -> memref<1x4x4x8x128xf32, #tpu.memory_space<vmem>>
    %dma_wait3A_35 = tpu.memref_squeeze %dma_wait3A_34 : memref<1x4x4x8x128xf32, #tpu.memory_space<vmem>> -> memref<4x4x8x128xf32, #tpu.memory_space<vmem>>
    tpu.wait_dma2 semaphore(%dma_wait3A_24 : memref<!tpu.dma_semaphore, #tpu.memory_space<semaphore_mem>>) src(%dma_wait3A_35 : memref<4x4x8x128xf32, #tpu.memory_space<vmem>>) dst(%dma_wait3A_29 : memref<4x4x8x128xf32, #tpu.memory_space<hbm>>)
    %dma_wait3A_36 = arith.constant 1 : i32
    %dma_wait3A_37 = arith.constant 49 : i32
    %dma_wait3A_38 = arith.constant 1 : i32
    %dma_wait3A_39 = arith.constant 0 : i32
    %dma_wait3A_40 = arith.constant 0 : i32
    %dma_wait3A_41 = arith.constant 0 : i32
    %dma_wait3A_42 = arith.constant 0 : i32
    %dma_wait3A_43 = tpu.memref_slice %arg7[%dma_wait3A_36, %dma_wait3A_39, %dma_wait3A_40, %dma_wait3A_41, %dma_wait3A_42] : memref<2x4x4x8x128xf32, #tpu.memory_space<vmem>> -> memref<1x4x4x8x128xf32, #tpu.memory_space<vmem>>
    %dma_wait3A_44 = tpu.memref_squeeze %dma_wait3A_43 : memref<1x4x4x8x128xf32, #tpu.memory_space<vmem>> -> memref<4x4x8x128xf32, #tpu.memory_space<vmem>>
    %dma_wait3A_45 = arith.constant 0 : i32
    %dma_wait3A_46 = arith.constant 0 : i32
    %dma_wait3A_47 = arith.constant 0 : i32
    %dma_wait3A_48 = tpu.memref_slice %arg4[%dma_wait3A_37, %dma_wait3A_45, %mul3A_4, %dma_wait3A_46, %dma_wait3A_47] : memref<50x4x128x8x128xf32, #tpu.memory_space<hbm>> -> memref<1x4x4x8x128xf32, #tpu.memory_space<hbm>>
    %dma_wait3A_49 = tpu.memref_squeeze %dma_wait3A_48 : memref<1x4x4x8x128xf32, #tpu.memory_space<hbm>> -> memref<4x4x8x128xf32, #tpu.memory_space<hbm>>
    %dma_wait3A_50 = tpu.memref_slice %arg8[%dma_wait3A_38] : memref<2x!tpu.dma_semaphore, #tpu.memory_space<semaphore_mem>> -> memref<1x!tpu.dma_semaphore, #tpu.memory_space<semaphore_mem>>
    %dma_wait3A_51 = tpu.memref_squeeze %dma_wait3A_50 : memref<1x!tpu.dma_semaphore, #tpu.memory_space<semaphore_mem>> -> memref<!tpu.dma_semaphore, #tpu.memory_space<semaphore_mem>>
    %dma_wait3A_52 = arith.constant 0 : i32
    %dma_wait3A_53 = arith.constant 0 : i32
    %dma_wait3A_54 = arith.constant 0 : i32
    %dma_wait3A_55 = tpu.memref_slice %arg4[%dma_wait3A_37, %dma_wait3A_52, %mul3A_4, %dma_wait3A_53, %dma_wait3A_54] : memref<50x4x128x8x128xf32, #tpu.memory_space<hbm>> -> memref<1x4x4x8x128xf32, #tpu.memory_space<hbm>>
    %dma_wait3A_56 = tpu.memref_squeeze %dma_wait3A_55 : memref<1x4x4x8x128xf32, #tpu.memory_space<hbm>> -> memref<4x4x8x128xf32, #tpu.memory_space<hbm>>
    %dma_wait3A_57 = arith.constant 0 : i32
    %dma_wait3A_58 = arith.constant 0 : i32
    %dma_wait3A_59 = arith.constant 0 : i32
    %dma_wait3A_60 = arith.constant 0 : i32
    %dma_wait3A_61 = tpu.memref_slice %arg7[%dma_wait3A_36, %dma_wait3A_57, %dma_wait3A_58, %dma_wait3A_59, %dma_wait3A_60] : memref<2x4x4x8x128xf32, #tpu.memory_space<vmem>> -> memref<1x4x4x8x128xf32, #tpu.memory_space<vmem>>
    %dma_wait3A_62 = tpu.memref_squeeze %dma_wait3A_61 : memref<1x4x4x8x128xf32, #tpu.memory_space<vmem>> -> memref<4x4x8x128xf32, #tpu.memory_space<vmem>>
    tpu.wait_dma2 semaphore(%dma_wait3A_51 : memref<!tpu.dma_semaphore, #tpu.memory_space<semaphore_mem>>) src(%dma_wait3A_62 : memref<4x4x8x128xf32, #tpu.memory_space<vmem>>) dst(%dma_wait3A_56 : memref<4x4x8x128xf32, #tpu.memory_space<hbm>>)
    return
  }
}

</mosaic_0001>

<sc_bundles>
// kernel: kernel.3.cloned.1.call-start
scs
__scs_entry_jumppad:
0x0: {  	(pc) =	sbr.rel $0x88, $3  }
0x1: {  	(tag) =	ssettag $0x0;
	lr =	simm.s32 $0x1  }
0x2: {  	[smem:$0x3F9F] =	sst lr;
	_ =	strace $0xD0000000  }
0x3: {  	_ = 	snop  }
0x4: {  	_ = 	snop  }
0x5: {  	_ = 	snop  }
0x6: {  	_ = 	snop  }
0x7: {  	_ = 	snop  }
__scs_overlays_trampoline_lowered:
0x8: {  	[smem:$0x3FAE] =	sst s0  }
0x9: {  	[smem:$0x3FAF] =	sst s1  }
0xa: {  	[smem:$0x3FB0] =	sst s2  }
0xb: {  	[smem:$0x3FB1] =	sst s3  }
0xc: {  	[smem:$0x3FB2] =	sst s4  }
0xd: {  	[smem:$0x3FB3] =	sst s5  }
0xe: {  	[smem:$0x3FB4] =	sst s6  }
0xf: {  	[smem:$0x3FB5] =	sst s7  }
0x10: {  	[smem:$0x3FB6] =	sst s8  }
0x11: {  	[smem:$0x3FB7] =	sst s9;
	s0 =	simm.s32 @!p0 $0x0  }
0x12: {  	s1 =	sld [smem:$0x3F9D];
	s0 =	simm.s32 @p0 $0x1  }
0x13: {  	[smem:$0x3FB8] =	sst s0;
	s0 =	simm.s32 @!p1 $0x0  }
0x14: {  	s2 =	sld [smem:$0x3F9C];
	s0 =	simm.s32 @p1 $0x1  }
0x15: {  	[smem:$0x3FB9] =	sst s0;
	s0 =	simm.s32 @!p2 $0x0  }
0x16: {  	s3 =	sld [smem:$0x3FDB];
	s0 =	simm.s32 @p2 $0x1  }
0x17: {  	s4 =	simm.s32 $0x1BF5;
	[smem:$0x3FBB] =	sst s0  }
0x18: {  	s0 =	sld [smem:$0x3F9E];
	_ =	swait.ge [sflag:s4], $0x0  }
0x19: {  	s7 =	sld [smem:$0x3F9F]  }
0x1a: {  	s8 =	sadd.s32 $0xFFFFE003, lr  }
0x1b: {  	s9 =	sadd.s32 $0xFFFFFEF7, lr;
	s5 =	simm.s32 $0xFFFFFFFF;
	p2 =	slt.u32 s8, $0xFFFFF086  }
0x1c: {  	p1 =	slt.u32 s9, $0xF7A;
	s5 =	simm.s32 @!p2 $0x0  }
0x1d: {  	s5 =	simm.s32 @p1 $0x1;
	p0 =	seq.s32 s7, s2  }
0x1e: {  	s7 =	smul.u32 @!p0 $0xF7A, s2;
	p2 =	seq.s32 @!p0 s5, $0x0  }
0x1f: {  	s9 =	smul.u32 $0xF7A, s1;
	s8 =	simm.s32 @!p0 $0x1BF5;
	p2 =	por !p2, p0  }
0x20: {  	[sflag:s8] =	ssyncset.s32 @!p0 $0xFFFFF086;
	s6 =	sadd.s32 @!p0 s3, s7;
	s7 =	simm.s32 @!p0 $0x108  }
0x21: {  	s3 =	sadd.s32 s3, s9;
	s6 =	sadd.s32 @!p0 $0x88, s6;
	s7 =	simm.s32 @p2 $0x1082  }
0x22: {  	[simem:s7], [sflag:s8] =	dma.local @!p0 [hbm:s6], $0xF7A  }
0x23: {  	s9 =	sor.u32 $0xD0000000, s2;
	s6 =	simm.s32 $0x108;
	_ =	swait.ge @!p0 [sflag:s8], $0x0  }
0x24: {  	s3 =	sadd.s32 $0x88, s3;
	s6 =	simm.s32 @!p1 $0x1082;
	[sflag:s4] =	ssyncset.s32 $0xFFFFF086  }
0x25: {  	[simem:s6], [sflag:s4] =	dma.local [hbm:s3], $0xF7A  }
0x26: {  	[smem:$0x3F9F] =	sst s1;
	(tag) =	ssettag s2;
	_ =	strace s9  }
0x27: {  	s1 =	sld [smem:$0x3FAF]  }
0x28: {  	s2 =	sld [smem:$0x3FB0]  }
0x29: {  	s4 =	sld [smem:$0x3FB2]  }
0x2a: {  	p0 =	seq.s32 s5, $0x0;
	s5 =	sld [smem:$0x3FB3]  }
0x2b: {  	s6 =	sld [smem:$0x3FB4]  }
0x2c: {  	s7 =	sld [smem:$0x3FB5]  }
0x2d: {  	s3 =	simm.s32 $0x108;
	s8 =	sld [smem:$0x3FB6]  }
0x2e: {  	s3 =	simm.s32 @!p0 $0x1082;
	s9 =	sld [smem:$0x3FB7]  }
0x2f: {  	lr =	sadd.s32 s0, s3;
	s0 =	sld [smem:$0x3FAE]  }
0x30: {  	s3 =	sld [smem:$0x3FB1]  }
0x31: {  	[smem:$0x3FBA] =	sst s10  }
0x32: {  	s10 =	sld [smem:$0x3FB8];
	_ =	sdelay $0x3  }
0x33: {  	p0 =	seq.s32 s10, $0x1;
	s10 =	sld [smem:$0x3FBA];
	_ =	sdelay $0x3  }
0x34: {  	[smem:$0x3FBA] =	sst s10  }
0x35: {  	s10 =	sld [smem:$0x3FB9];
	_ =	sdelay $0x3  }
0x36: {  	p1 =	seq.s32 s10, $0x1;
	s10 =	sld [smem:$0x3FBA];
	_ =	sdelay $0x3  }
0x37: {  	[smem:$0x3FBA] =	sst s10  }
0x38: {  	s10 =	sld [smem:$0x3FBB]  }
0x39: {  	_ = 	snop;
	(pc) =	sbr.ind lr, $3  }
0x3a: {  	_ = 	snop  }
0x3b: {  	_ = 	snop  }
0x3c: {  	p2 =	seq.s32 s10, $0x1;
	s10 =	sld [smem:$0x3FBA]  }
0x3d: {  	_ =	shalt  }
0x3e: {  	_ =	shalt  }
0x3f: {  	_ =	shalt  }
0x40: {  	_ =	shalt  }
0x41: {  	_ =	shalt  }
0x42: {  	_ =	shalt  }
0x43: {  	_ =	shalt  }
0x44: {  	_ =	shalt  }
0x45: {  	_ =	shalt  }
0x46: {  	_ =	shalt  }
0x47: {  	_ =	shalt  }
0x48: {  	_ =	shalt  }
0x49: {  	_ =	shalt  }
0x4a: {  	_ =	shalt  }
0x4b: {  	_ =	shalt  }
0x4c: {  	_ =	shalt  }
0x4d: {  	_ =	shalt  }
0x4e: {  	_ =	shalt  }
0x4f: {  	_ =	shalt  }
0x50: {  	_ =	shalt  }
0x51: {  	_ =	shalt  }
0x52: {  	_ =	shalt  }
0x53: {  	_ =	shalt  }
0x54: {  	_ =	shalt  }
0x55: {  	_ =	shalt  }
0x56: {  	_ =	shalt  }
0x57: {  	_ =	shalt  }
0x58: {  	_ =	shalt  }
0x59: {  	_ =	shalt  }
0x5a: {  	_ =	shalt  }
0x5b: {  	_ =	shalt  }
0x5c: {  	_ =	shalt  }
0x5d: {  	_ =	shalt  }
0x5e: {  	_ =	shalt  }
0x5f: {  	_ =	shalt  }
0x60: {  	_ =	shalt  }
0x61: {  	_ =	shalt  }
0x62: {  	_ =	shalt  }
0x63: {  	_ =	shalt  }
0x64: {  	_ =	shalt  }
0x65: {  	_ =	shalt  }
0x66: {  	_ =	shalt  }
0x67: {  	_ =	shalt  }
0x68: {  	_ =	shalt  }
0x69: {  	_ =	shalt  }
0x6a: {  	_ =	shalt  }
0x6b: {  	_ =	shalt  }
0x6c: {  	_ =	shalt  }
0x6d: {  	_ =	shalt  }
0x6e: {  	_ =	shalt  }
0x6f: {  	_ =	shalt  }
0x70: {  	_ =	shalt  }
0x71: {  	_ =	shalt  }
0x72: {  	_ =	shalt  }
0x73: {  	_ =	shalt  }
0x74: {  	_ =	shalt  }
0x75: {  	_ =	shalt  }
0x76: {  	_ =	shalt  }
0x77: {  	_ =	shalt  }
0x78: {  	_ =	shalt  }
0x79: {  	_ =	shalt  }
0x7a: {  	_ =	shalt  }
0x7b: {  	_ =	shalt  }
0x7c: {  	_ =	shalt  }
0x7d: {  	_ =	shalt  }
0x7e: {  	_ =	shalt  }
0x7f: {  	_ =	shalt  }
0x80: {  	_ =	shalt  }
0x81: {  	_ =	shalt  }
0x82: {  	_ =	shalt  }
0x83: {  	_ =	shalt  }
0x84: {  	_ =	shalt  }
0x85: {  	_ =	shalt  }
0x86: {  	_ =	shalt  }
0x87: {  	_ =	shalt  }
.Lfunc_end0:
.L_simem_size_0:
called_computation_lowered:
.L_overlay_start_0:
0x88: {  	s2 =	sld [smem:$0x3FD9]  }
0x89: {  	s3 =	sld [smem:$0x3FFE];
	_ =	sdelay $0x1  }
0x8a: {  	s1 =	srdreg.scid  }
0x8b: {  	s0 =	sand.u32 $0x1, s1  }
0x8c: {  	s17 =	sshll.u32 s0, $0xA;
	s2 =	sadd.s32 s3, s2  }
0x8d: {  	s2 =	sadd.s32 s2, s17  }
0x8e: {  	[smem:$0x3FC6] =	sst s2  }
0x8f: {  	_ = 	snop  }
0x90: {  	s2 =	sld [smem:$0x3FD0];
	(tm) =	ssettm $0x1  }
0x91: {  	s18 =	sld [smem:$0x3FFB];
	_ =	sdelay $0x3  }
0x92: {  	_ =	strace s18  }
0x93: {  	s3 =	sld [smem:$0x3FFC];
	_ =	sdelay $0x3  }
0x94: {  	_ =	strace s3  }
0x95: {  	s3 =	sld [smem:$0x3FFD];
	_ =	sdelay $0x3  }
0x96: {  	_ =	strace s3  }
0x97: {  	_ =	strace $0x8FFFFFFF  }
0x98: {  	s19 =	sld [smem:$0x3FDB];
	_ =	sdelay $0x1  }
0x99: {  	s4 =	simm.s32 $_scs_section_size  }
0x9a: {  	s5 =	simm.s32 $_size__tile_overlayer_lowered;
	s6 =	simm.s32 $_tile_overlayer_lowered  }
0x9b: {  	s22 =	simm.s32 $0x1BFF;
	s21 =	sshll.u32 s6, $0x1;
	s3 =	sadd.s32 s4, s19  }
0x9c: {  	s7 =	simm.s32 $0x0;
	s20 =	sshll.u32 s5, $0x1;
	s5 =	sadd.s32 s21, s3  }
0x9d: {  	[timem:s7], [sflag:s22] =	dma.local [hbm:s5], s20  }
0x9e: {  	_ =	swait.ge [sflag:s22], s20  }
0x9f: {  	s4 =	ssub.s32 $0x0, s20;
	[sflag:s22] =	ssyncset.done $0x0  }
0xa0: {  	[sflag:s22] =	ssyncadd.s32 s4;
	_ =	sdelay $0x1  }
0xa1: {  	s23 =	simm.s32 $0x1B8B  }
0xa2: {  	_ =	swait.ge [sflag:s23], $0x1  }
0xa3: {  	[sflag:s23] =	ssyncset.done $0x0  }
0xa4: {  	s25 =	simm.s32 $0x1B8E;
	s24 =	sld [smem:$0x3FFE];
	[sflag:s23] =	ssyncadd.s32 $0xFFFFFFFF  }
0xa5: {  	s26 =	simm.s32 $execute0_lowered;
	[smem:$0x3FD2] =	sst s25  }
0xa6: {  	s5 =	sshll.u32 s26, $0x1;
	_ =	strace $0x80000046;
	[dreg:$0x1] =	wrdreg $0xFFFFFFFF  }
0xa7: {  	s28 =	simm.s32 $_size_execute0_lowered;
	s3 =	sadd.s32 s3, s5;
	[dreg:$0x0] =	wrdreg $0x0  }
0xa8: {  	s5 =	sshll.u32 s28, $0x1;
	[dreg:$0x2] =	wrdreg s3  }
0xa9: {  	[dreg:$0x3] =	wrdreg s5  }
0xaa: {  	[dreg:$0x4] =	wrdreg $0xC0  }
0xab: {  	_ =	task [dreg:s7], $0x5FFFF  }
0xac: {  	[dreg:$0x1] =	wrdreg $0xFFFFFFFF  }
0xad: {  	[dreg:$0x0] =	wrdreg $0x60  }
0xae: {  	[dreg:$0x2] =	wrdreg s24  }
0xaf: {  	[dreg:$0x3] =	wrdreg s2  }
0xb0: {  	[dreg:$0x4] =	wrdreg $0x9  }
0xb1: {  	_ =	task.clear_ibuf [dreg:s7], $0x5FFFF;
	_ =	strace $0x90000046  }
0xb2: {  	s29 =	simm.s32 $0x9;
	_ =	strace $0x80000048  }
0xb3: {  	_ =	swait.ge [sflag:s29], $0x1  }
0xb4: {  	[sflag:s29] =	ssyncadd.s32 $0xFFFFFFFF  }
0xb5: {  	_ =	strace $0x90000048  }
0xb6: {  	_ =	sfence  }
0xb7: {  	s30 =	sld [smem:$0x0];
	_ =	sdelay $0x2  }
0xb8: {  	s31 =	sshll.u32 s1, $0xD;
	s1 =	sshrl.u32 s1, $0x2  }
0xb9: {  	s3 =	sand.u32 $0x4000, s31;
	s1 =	sadd.s32 s1, s30  }
0xba: {  	s0 =	sor.u32 s3, s0;
	s1 =	sshll.u32 s1, $0x11  }
0xbb: {  	s0 =	sor.u32 s1, s0  }
0xbc: {  	s0 =	sadd.s32 $0x8F2B, s0  }
0xbd: {  	[sflag:s0] =	ssyncadd.remote.s32 $0x1  }
0xbe: {  	_ =	sfence.sel $0xFFFF  }
0xbf: {  	[dreg:$0x0] =	wrdreg $0xFFFFFFFF;
	(pc) =	sbr.abs _section_cstart, $3  }
0xc0: {  	[dreg:$0x1] =	wrdreg $0xFFFFFFFF  }
0xc1: {  	_ =	task.clear_ibuf [dreg:s7], $0x2FFFF;
	_ =	strace $0x9FFFFFFF  }
0xc2: {  	(tm) =	ssettm $0x7FFFFFFF  }
0xc3: {  	_ =	shalt  }
tec
execute0_lowered:
.L_overlay_start_1:
0x0: {  	(tag) =	ssettag $0x1  }
0x1: {  	s3 =	rddreg [dreg:$0x0];
	s1 =	srdreg.scid  }
0x2: {  	s0 =	stileid.u32;
	s5 =	rddreg [dreg:$0x1];
	s2 =	simm.s32 $0x0  }
0x3: {  	s9 =	simm.s32 $0x4000;
	s10 =	simm.s32 $0x1000;
	s11 =	simm.s32 $0x20000  }
0x4: {  	s12 =	simm.s32 $0x1;
	s13 =	simm.s32 $0x2;
	s14 =	simm.s32 $0x0  }
0x5: {  	s4 =	sand.u32 $0x1, s1;
	s6 =	sshll.u32 s0, $0x1;
	s1 =	rddreg [dreg:$0x2]  }
0x6: {  	[smem:$0x7FF] =	sst s2;
	s6 =	sor.u32 s4, s6;
	s4 =	ssub.s32 $0x2, s4  }
0x7: {  	_ =	strace $0x80000047;
	s7 =	sshll.u32 s6, $0x6;
	s8 =	sshrl.u32 s4, $0x1  }
0x8: {  	s6 =	sshll.u32 s6, $0x9;
	s7 =	sadd.s32 s7, s3;
	s3 =	sadd.s32 $0x400, s3  }
0x9: {  	s8 =	ssub.s32 s4, s8;
	s5 =	sadd.s32 s5, s6;
	s4 =	sadd.s32 $0x1600, s7  }
0xa: {  	s6 =	smax.u32 s8, $0x1;
	s7 =	simm.s32 $0x3;
	s8 =	simm.s32 $0x200  }
.LBB2_1:
0xb: {  	[tilespmem:s2], [sflag:$0x3] =	stream.linear.gather [hbm4b:s3+s2], $0x8110, $0x38;
	[tilespmem:$0x16510] =	vst v63  }
0xc: {  	_ =	swait.ge [sflag:s7], $0x8110  }
0xd: {  	[sflag:s7] =	ssyncset.done $0x0  }
0xe: {  	s15 =	simm.s32 $0x8110;
	[sflag:s7] =	ssyncadd.s32 $0xFFFF7EF0  }
0xf: {  	[tilespmem:s15], [sflag:$0x3] =	stream.strided.gather [hbm4b:s4+s8], $0x6400, s9, s8, $0x38;
	[tilespmem:$0x16510] =	vst v63  }
0x10: {  	_ =	swait.ge [sflag:s7], $0x6400  }
0x11: {  	[sflag:s7] =	ssyncset.done $0x0  }
0x12: {  	s16 =	simm.s32 $0x0;
	[sflag:s7] =	ssyncadd.s32 $0xFFFF9C00  }
.LBB2_2:
0x13: {  	s17 =	sand.u32 $0x1, s16;
	p0 =	slt.u32 s16, $0x2  }
0x14: {  	s18 =	sadd.s32 @!p0 $0x1, s17  }
0x15: {  	_ =	swait.ge @!p0 [sflag:s18], $0x4000  }
0x16: {  	[sflag:s18] =	ssyncset.done @!p0 $0x0  }
0x17: {  	[sflag:s18] =	ssyncadd.s32 @!p0 $0xFFFFC000  }
0x18: {  	v0 =	vld [tilespmem:s15+$0x0];
	_ =	sdelay $0x4  }
0x19: {  	v6 =	vmul.u32 $0x21, v0;
	_ =	sdelay $0x1  }
0x1a: {  	v0 =	vadd.s32 $0x21, v6;
	_ =	sdelay $0x4  }
0x1b: {  	v0 =	vld.idx.msk [tilespmem:v0+s2+$0x0], $0xffff  }
0x1c: {  	s19 =	simm.s32 $0x0;
	s24 =	sshll.u32 s17, $0xE;
	v1 =	vadd.s32 $0x22, v6  }
0x1d: {  	s20 =	sand.u32 $0xC00, s19;
	s18 =	sadd.s32 $0xE510, s24  }
0x1e: {  	s19 =	sand.u32 $0x70, s19;
	s20 =	sadd.s32 s20, s18  }
0x1f: {  	s23 =	sadd.s32 s19, s20  }
0x20: {  	[tilespmem:s23+$0x0] =	vst v0  }
0x21: {  	v0 =	vld.idx.msk [tilespmem:v1+s2+$0x0], $0xffff  }
0x22: {  	v1 =	vadd.s32 $0x23, v6;
	_ =	sdelay $0x3  }
0x23: {  	[tilespmem:s23+$0x80] =	vst v0  }
0x24: {  	v0 =	vld.idx.msk [tilespmem:v1+s2+$0x0], $0xffff  }
0x25: {  	v1 =	vadd.s32 $0x24, v6;
	_ =	sdelay $0x1  }
0x26: {  	s25 =	sadd.s32 $0x10, s15  }
0x27: {  	v2 =	vld [tilespmem:s25+$0x0]  }
0x28: {  	[tilespmem:s23+$0x100] =	vst v0  }
0x29: {  	v0 =	vld.idx.msk [tilespmem:v1+s2+$0x0], $0xffff  }
0x2a: {  	v1 =	vadd.s32 $0x25, v6;
	_ =	sdelay $0x1  }
0x2b: {  	v2 =	vmul.u32 $0x21, v2;
	_ =	sdelay $0x1  }
0x2c: {  	[tilespmem:s23+$0x180] =	vst v0;
	v0 =	vadd.s32 $0x21, v2  }
0x2d: {  	v1 =	vld.idx.msk [tilespmem:v1+s2+$0x0], $0xffff  }
0x2e: {  	v3 =	vadd.s32 $0x26, v6;
	_ =	sdelay $0x2  }
0x2f: {  	v0 =	vld.idx.msk [tilespmem:v0+s2+$0x0], $0xffff  }
0x30: {  	s26 =	simm.s32 $0x80;
	[tilespmem:s23+$0x200] =	vst v1;
	v1 =	vadd.s32 $0x22, v2  }
0x31: {  	s21 =	simm.s32 $0x10;
	s20 =	sand.u32 $0xC00, s26;
	v3 =	vld.idx.msk [tilespmem:v3+s2+$0x0], $0xffff  }
0x32: {  	s21 =	sand.u32 $0x70, s21;
	s20 =	sadd.s32 s20, s18;
	v4 =	vadd.s32 $0x27, v6  }
0x33: {  	s20 =	sadd.s32 s21, s20  }
0x34: {  	[tilespmem:s20+$0x0] =	vst v0  }
0x35: {  	v0 =	vld.idx.msk [tilespmem:v1+s2+$0x0], $0xffff  }
0x36: {  	v1 =	vadd.s32 $0x23, v2;
	[tilespmem:s23+$0x280] =	vst v3  }
0x37: {  	v3 =	vld.idx.msk [tilespmem:v4+s2+$0x0], $0xffff  }
0x38: {  	v4 =	vadd.s32 $0x28, v6;
	_ =	sdelay $0x1  }
0x39: {  	[tilespmem:s20+$0x80] =	vst v0  }
0x3a: {  	v0 =	vld.idx.msk [tilespmem:v1+s2+$0x0], $0xffff  }
0x3b: {  	v1 =	vadd.s32 $0x24, v2;
	[tilespmem:s23+$0x300] =	vst v3  }
0x3c: {  	v3 =	vld.idx.msk [tilespmem:v4+s2+$0x0], $0xffff  }
0x3d: {  	s31 =	sadd.s32 $0x10, s25;
	v4 =	vadd.s32 $0x29, v6  }
0x3e: {  	v5 =	vld [tilespmem:s31+$0x0]  }
0x3f: {  	[tilespmem:s20+$0x100] =	vst v0  }
0x40: {  	v1 =	vld.idx.msk [tilespmem:v1+s2+$0x0], $0xffff  }
0x41: {  	[tilespmem:s23+$0x380] =	vst v3;
	v3 =	vadd.s32 $0x25, v2  }
0x42: {  	v4 =	vld.idx.msk [tilespmem:v4+s2+$0x0], $0xffff  }
0x43: {  	v7 =	vadd.s32 $0x2A, v6;
	v0 =	vmul.u32 $0x21, v5;
	_ =	sdelay $0x1  }
0x44: {  	[tilespmem:s20+$0x180] =	vst v1;
	v1 =	vadd.s32 $0x21, v0  }
0x45: {  	v3 =	vld.idx.msk [tilespmem:v3+s2+$0x0], $0xffff  }
0x46: {  	[tilespmem:s23+$0x1000] =	vst v4;
	v4 =	vadd.s32 $0x26, v2  }
0x47: {  	v5 =	vld.idx.msk [tilespmem:v7+s2+$0x0], $0xffff  }
0x48: {  	v7 =	vadd.s32 $0x2B, v6  }
0x49: {  	v1 =	vld.idx.msk [tilespmem:v1+s2+$0x0], $0xffff  }
0x4a: {  	s24 =	simm.s32 $0x100;
	[tilespmem:s20+$0x200] =	vst v3;
	v3 =	vadd.s32 $0x22, v0  }
0x4b: {  	s22 =	simm.s32 $0x20;
	s19 =	sand.u32 $0xC00, s24;
	v4 =	vld.idx.msk [tilespmem:v4+s2+$0x0], $0xffff  }
0x4c: {  	s22 =	sand.u32 $0x70, s22;
	s19 =	sadd.s32 s19, s18;
	[tilespmem:s23+$0x1080] =	vst v5;
	v5 =	vadd.s32 $0x27, v2  }
0x4d: {  	s19 =	sadd.s32 s22, s19;
	v7 =	vld.idx.msk [tilespmem:v7+s2+$0x0], $0xffff  }
0x4e: {  	[tilespmem:s19+$0x0] =	vst v1;
	v1 =	vadd.s32 $0x2C, v6  }
0x4f: {  	v3 =	vld.idx.msk [tilespmem:v3+s2+$0x0], $0xffff  }
0x50: {  	[tilespmem:s20+$0x280] =	vst v4;
	v4 =	vadd.s32 $0x23, v0  }
0x51: {  	v5 =	vld.idx.msk [tilespmem:v5+s2+$0x0], $0xffff  }
0x52: {  	[tilespmem:s23+$0x1100] =	vst v7;
	v7 =	vadd.s32 $0x28, v2  }
0x53: {  	v1 =	vld.idx.msk [tilespmem:v1+s2+$0x0], $0xffff  }
0x54: {  	[tilespmem:s19+$0x80] =	vst v3;
	v3 =	vadd.s32 $0x2D, v6  }
0x55: {  	v4 =	vld.idx.msk [tilespmem:v4+s2+$0x0], $0xffff  }
0x56: {  	[tilespmem:s20+$0x300] =	vst v5;
	v5 =	vadd.s32 $0x24, v0  }
0x57: {  	v7 =	vld.idx.msk [tilespmem:v7+s2+$0x0], $0xffff  }
0x58: {  	[tilespmem:s23+$0x1180] =	vst v1;
	v1 =	vadd.s32 $0x29, v2  }
0x59: {  	s25 =	sadd.s32 $0x10, s31;
	v3 =	vld.idx.msk [tilespmem:v3+s2+$0x0], $0xffff  }
0x5a: {  	v8 =	vld [tilespmem:s25+$0x0];
	[tilespmem:s19+$0x100] =	vst v4;
	v4 =	vadd.s32 $0x2E, v6  }
0x5b: {  	v5 =	vld.idx.msk [tilespmem:v5+s2+$0x0], $0xffff  }
0x5c: {  	[tilespmem:s20+$0x380] =	vst v7;
	v7 =	vadd.s32 $0x25, v0  }
0x5d: {  	v9 =	vld.idx.msk [tilespmem:v1+s2+$0x0], $0xffff  }
0x5e: {  	[tilespmem:s23+$0x1200] =	vst v3;
	v3 =	vadd.s32 $0x2A, v2  }
0x5f: {  	v1 =	vmul.u32 $0x21, v8;
	v4 =	vld.idx.msk [tilespmem:v4+s2+$0x0], $0xffff  }
0x60: {  	[tilespmem:s19+$0x180] =	vst v5;
	v5 =	vadd.s32 $0x2F, v6  }
0x61: {  	v8 =	vadd.s32 $0x21, v1;
	v7 =	vld.idx.msk [tilespmem:v7+s2+$0x0], $0xffff  }
0x62: {  	[tilespmem:s20+$0x1000] =	vst v9;
	v9 =	vadd.s32 $0x26, v0  }
0x63: {  	v3 =	vld.idx.msk [tilespmem:v3+s2+$0x0], $0xffff  }
0x64: {  	[tilespmem:s23+$0x1280] =	vst v4;
	v4 =	vadd.s32 $0x2B, v2  }
0x65: {  	v5 =	vld.idx.msk [tilespmem:v5+s2+$0x0], $0xffff  }
0x66: {  	v8 =	vld.idx.msk [tilespmem:v8+s2+$0x0], $0xffff;
	[tilespmem:s19+$0x200] =	vst v7;
	v7 =	vadd.s32 $0x30, v6  }
0x67: {  	s26 =	simm.s32 $0x180;
	v10 =	vadd.s32 $0x22, v1;
	v9 =	vld.idx.msk [tilespmem:v9+s2+$0x0], $0xffff  }
0x68: {  	s24 =	simm.s32 $0x30;
	s21 =	sand.u32 $0xC00, s26;
	[tilespmem:s20+$0x1080] =	vst v3;
	v3 =	vadd.s32 $0x27, v0  }
0x69: {  	s24 =	sand.u32 $0x70, s24;
	s21 =	sadd.s32 s21, s18;
	v4 =	vld.idx.msk [tilespmem:v4+s2+$0x0], $0xffff  }
0x6a: {  	s21 =	sadd.s32 s24, s21;
	[tilespmem:s23+$0x1300] =	vst v5;
	v5 =	vadd.s32 $0x2C, v2  }
0x6b: {  	[tilespmem:s21+$0x0] =	vst v8;
	v7 =	vld.idx.msk [tilespmem:v7+s2+$0x0], $0xffff  }
0x6c: {  	v8 =	vld.idx.msk [tilespmem:v10+s2+$0x0], $0xffff;
	[tilespmem:s19+$0x280] =	vst v9;
	v9 =	vadd.s32 $0x31, v6  }
0x6d: {  	v10 =	vadd.s32 $0x23, v1;
	v3 =	vld.idx.msk [tilespmem:v3+s2+$0x0], $0xffff  }
0x6e: {  	[tilespmem:s20+$0x1100] =	vst v4;
	v4 =	vadd.s32 $0x28, v0  }
0x6f: {  	v5 =	vld.idx.msk [tilespmem:v5+s2+$0x0], $0xffff  }
0x70: {  	[tilespmem:s23+$0x1380] =	vst v7;
	v7 =	vadd.s32 $0x2D, v2  }
0x71: {  	[tilespmem:s21+$0x80] =	vst v8;
	v8 =	vld.idx.msk [tilespmem:v9+s2+$0x0], $0xffff  }
0x72: {  	v9 =	vld.idx.msk [tilespmem:v10+s2+$0x0], $0xffff;
	[tilespmem:s19+$0x300] =	vst v3;
	v3 =	vadd.s32 $0x32, v6  }
0x73: {  	v10 =	vadd.s32 $0x24, v1;
	v4 =	vld.idx.msk [tilespmem:v4+s2+$0x0], $0xffff  }
0x74: {  	[tilespmem:s20+$0x1180] =	vst v5;
	v5 =	vadd.s32 $0x29, v0  }
0x75: {  	s31 =	sadd.s32 $0x10, s25;
	v7 =	vld.idx.msk [tilespmem:v7+s2+$0x0], $0xffff  }
0x76: {  	v11 =	vld [tilespmem:s31+$0x0];
	[tilespmem:s23+$0x2000] =	vst v8;
	v8 =	vadd.s32 $0x2E, v2  }
0x77: {  	[tilespmem:s21+$0x100] =	vst v9;
	v9 =	vld.idx.msk [tilespmem:v3+s2+$0x0], $0xffff  }
0x78: {  	v10 =	vld.idx.msk [tilespmem:v10+s2+$0x0], $0xffff;
	[tilespmem:s19+$0x380] =	vst v4;
	v4 =	vadd.s32 $0x33, v6  }
0x79: {  	v12 =	vadd.s32 $0x25, v1;
	v5 =	vld.idx.msk [tilespmem:v5+s2+$0x0], $0xffff  }
0x7a: {  	[tilespmem:s20+$0x1200] =	vst v7;
	v7 =	vadd.s32 $0x2A, v0  }
0x7b: {  	v3 =	vmul.u32 $0x21, v11;
	v8 =	vld.idx.msk [tilespmem:v8+s2+$0x0], $0xffff  }
0x7c: {  	[tilespmem:s23+$0x2080] =	vst v9;
	v9 =	vadd.s32 $0x2F, v2  }
0x7d: {  	[tilespmem:s21+$0x180] =	vst v10;
	v10 =	vadd.s32 $0x21, v3;
	v4 =	vld.idx.msk [tilespmem:v4+s2+$0x0], $0xffff  }
0x7e: {  	v11 =	vld.idx.msk [tilespmem:v12+s2+$0x0], $0xffff;
	[tilespmem:s19+$0x1000] =	vst v5;
	v5 =	vadd.s32 $0x34, v6  }
0x7f: {  	v12 =	vadd.s32 $0x26, v1;
	v7 =	vld.idx.msk [tilespmem:v7+s2+$0x0], $0xffff  }
0x80: {  	[tilespmem:s20+$0x1280] =	vst v8;
	v8 =	vadd.s32 $0x2B, v0  }
0x81: {  	v9 =	vld.idx.msk [tilespmem:v9+s2+$0x0], $0xffff  }
0x82: {  	v10 =	vld.idx.msk [tilespmem:v10+s2+$0x0], $0xffff;
	[tilespmem:s23+$0x2100] =	vst v4;
	v4 =	vadd.s32 $0x30, v2  }
0x83: {  	s26 =	simm.s32 $0x200;
	[tilespmem:s21+$0x200] =	vst v11;
	v11 =	vadd.s32 $0x22, v3;
	v5 =	vld.idx.msk [tilespmem:v5+s2+$0x0], $0xffff  }
0x84: {  	s25 =	simm.s32 $0x40;
	s22 =	sand.u32 $0xC00, s26;
	v12 =	vld.idx.msk [tilespmem:v12+s2+$0x0], $0xffff;
	[tilespmem:s19+$0x1080] =	vst v7;
	v7 =	vadd.s32 $0x35, v6  }
0x85: {  	s25 =	sand.u32 $0x70, s25;
	s22 =	sadd.s32 s22, s18;
	v13 =	vadd.s32 $0x27, v1;
	v8 =	vld.idx.msk [tilespmem:v8+s2+$0x0], $0xffff  }
0x86: {  	s22 =	sadd.s32 s25, s22;
	[tilespmem:s20+$0x1300] =	vst v9;
	v9 =	vadd.s32 $0x2C, v0  }
0x87: {  	[tilespmem:s22+$0x0] =	vst v10;
	v4 =	vld.idx.msk [tilespmem:v4+s2+$0x0], $0xffff  }
0x88: {  	v10 =	vld.idx.msk [tilespmem:v11+s2+$0x0], $0xffff;
	[tilespmem:s23+$0x2180] =	vst v5;
	v5 =	vadd.s32 $0x31, v2  }
0x89: {  	v11 =	vadd.s32 $0x23, v3;
	[tilespmem:s21+$0x280] =	vst v12;
	v7 =	vld.idx.msk [tilespmem:v7+s2+$0x0], $0xffff  }
0x8a: {  	v12 =	vld.idx.msk [tilespmem:v13+s2+$0x0], $0xffff;
	[tilespmem:s19+$0x1100] =	vst v8;
	v8 =	vadd.s32 $0x36, v6  }
0x8b: {  	v13 =	vadd.s32 $0x28, v1;
	v9 =	vld.idx.msk [tilespmem:v9+s2+$0x0], $0xffff  }
0x8c: {  	[tilespmem:s20+$0x1380] =	vst v4;
	v4 =	vadd.s32 $0x2D, v0  }
0x8d: {  	[tilespmem:s22+$0x80] =	vst v10;
	v5 =	vld.idx.msk [tilespmem:v5+s2+$0x0], $0xffff  }
0x8e: {  	v10 =	vld.idx.msk [tilespmem:v11+s2+$0x0], $0xffff;
	[tilespmem:s23+$0x2200] =	vst v7;
	v7 =	vadd.s32 $0x32, v2  }
0x8f: {  	v11 =	vadd.s32 $0x24, v3;
	[tilespmem:s21+$0x300] =	vst v12;
	v8 =	vld.idx.msk [tilespmem:v8+s2+$0x0], $0xffff  }
0x90: {  	v12 =	vld.idx.msk [tilespmem:v13+s2+$0x0], $0xffff;
	[tilespmem:s19+$0x1180] =	vst v9;
	v9 =	vadd.s32 $0x37, v6  }
0x91: {  	s24 =	sadd.s32 $0x10, s31;
	v13 =	vadd.s32 $0x29, v1;
	v4 =	vld.idx.msk [tilespmem:v4+s2+$0x0], $0xffff  }
0x92: {  	v14 =	vld [tilespmem:s24+$0x0];
	[tilespmem:s20+$0x2000] =	vst v5;
	v5 =	vadd.s32 $0x2E, v0  }
0x93: {  	[tilespmem:s22+$0x100] =	vst v10;
	v7 =	vld.idx.msk [tilespmem:v7+s2+$0x0], $0xffff  }
0x94: {  	v10 =	vld.idx.msk [tilespmem:v11+s2+$0x0], $0xffff;
	[tilespmem:s23+$0x2280] =	vst v8;
	v8 =	vadd.s32 $0x33, v2  }
0x95: {  	v11 =	vadd.s32 $0x25, v3;
	[tilespmem:s21+$0x380] =	vst v12;
	v9 =	vld.idx.msk [tilespmem:v9+s2+$0x0], $0xffff  }
0x96: {  	v12 =	vld.idx.msk [tilespmem:v13+s2+$0x0], $0xffff;
	v13 =	vadd.s32 $0x38, v6;
	[tilespmem:s19+$0x1200] =	vst v4  }
0x97: {  	s31 =	sadd.s32 $0x10, s24;
	v15 =	vadd.s32 $0x2A, v1;
	v4 =	vmul.u32 $0x21, v14;
	v5 =	vld.idx.msk [tilespmem:v5+s2+$0x0], $0xffff  }
0x98: {  	v14 =	vld [tilespmem:s31+$0x0];
	[tilespmem:s20+$0x2080] =	vst v7;
	v7 =	vadd.s32 $0x2F, v0  }
0x99: {  	[tilespmem:s22+$0x180] =	vst v10;
	v10 =	vadd.s32 $0x21, v4;
	v8 =	vld.idx.msk [tilespmem:v8+s2+$0x0], $0xffff  }
0x9a: {  	v11 =	vld.idx.msk [tilespmem:v11+s2+$0x0], $0xffff;
	[tilespmem:s23+$0x2300] =	vst v9;
	v9 =	vadd.s32 $0x34, v2  }
0x9b: {  	[tilespmem:s21+$0x1000] =	vst v12;
	v12 =	vld.idx.msk [tilespmem:v13+s2+$0x0], $0xffff;
	v13 =	vadd.s32 $0x26, v3  }
0x9c: {  	v15 =	vld.idx.msk [tilespmem:v15+s2+$0x0], $0xffff;
	[tilespmem:s19+$0x1280] =	vst v5;
	v5 =	vadd.s32 $0x39, v6  }
0x9d: {  	v16 =	vadd.s32 $0x2B, v1;
	v7 =	vld.idx.msk [tilespmem:v7+s2+$0x0], $0xffff  }
0x9e: {  	v10 =	vld.idx.msk [tilespmem:v10+s2+$0x0], $0xffff;
	[tilespmem:s20+$0x2100] =	vst v8;
	v8 =	vadd.s32 $0x30, v0  }
0x9f: {  	s26 =	simm.s32 $0x280;
	[tilespmem:s22+$0x200] =	vst v11;
	v11 =	vadd.s32 $0x22, v4;
	v9 =	vld.idx.msk [tilespmem:v9+s2+$0x0], $0xffff  }
0xa0: {  	s24 =	sand.u32 $0xC00, s26;
	s26 =	simm.s32 $0x50;
	v13 =	vld.idx.msk [tilespmem:v13+s2+$0x0], $0xffff;
	[tilespmem:s23+$0x2380] =	vst v12;
	v12 =	vadd.s32 $0x35, v2  }
0xa1: {  	s26 =	sand.u32 $0x70, s26;
	s24 =	sadd.s32 s24, s18;
	[tilespmem:s21+$0x1080] =	vst v15;
	v15 =	vadd.s32 $0x27, v3;
	v5 =	vld.idx.msk [tilespmem:v5+s2+$0x0], $0xffff  }
0xa2: {  	s24 =	sadd.s32 s26, s24;
	v16 =	vld.idx.msk [tilespmem:v16+s2+$0x0], $0xffff;
	[tilespmem:s19+$0x1300] =	vst v7;
	v7 =	vadd.s32 $0x3A, v6  }
0xa3: {  	[tilespmem:s24+$0x0] =	vst v10;
	v10 =	vadd.s32 $0x2C, v1;
	v8 =	vld.idx.msk [tilespmem:v8+s2+$0x0], $0xffff  }
0xa4: {  	v11 =	vld.idx.msk [tilespmem:v11+s2+$0x0], $0xffff;
	[tilespmem:s20+$0x2180] =	vst v9;
	v9 =	vadd.s32 $0x31, v0  }
0xa5: {  	[tilespmem:s22+$0x280] =	vst v13;
	v12 =	vld.idx.msk [tilespmem:v12+s2+$0x0], $0xffff;
	v13 =	vadd.s32 $0x23, v4  }
0xa6: {  	v15 =	vld.idx.msk [tilespmem:v15+s2+$0x0], $0xffff;
	[tilespmem:s23+$0x3000] =	vst v5;
	v5 =	vadd.s32 $0x36, v2  }
0xa7: {  	[tilespmem:s21+$0x1100] =	vst v16;
	v16 =	vadd.s32 $0x28, v3;
	v7 =	vld.idx.msk [tilespmem:v7+s2+$0x0], $0xffff  }
0xa8: {  	v10 =	vld.idx.msk [tilespmem:v10+s2+$0x0], $0xffff;
	[tilespmem:s19+$0x1380] =	vst v8;
	v8 =	vadd.s32 $0x3B, v6  }
0xa9: {  	[tilespmem:s24+$0x80] =	vst v11;
	v11 =	vadd.s32 $0x2D, v1;
	v9 =	vld.idx.msk [tilespmem:v9+s2+$0x0], $0xffff  }
0xaa: {  	v13 =	vld.idx.msk [tilespmem:v13+s2+$0x0], $0xffff;
	[tilespmem:s20+$0x2200] =	vst v12;
	v12 =	vadd.s32 $0x32, v0  }
0xab: {  	[tilespmem:s22+$0x300] =	vst v15;
	v5 =	vld.idx.msk [tilespmem:v5+s2+$0x0], $0xffff;
	v15 =	vadd.s32 $0x24, v4  }
0xac: {  	v16 =	vld.idx.msk [tilespmem:v16+s2+$0x0], $0xffff;
	[tilespmem:s23+$0x3080] =	vst v7;
	v7 =	vadd.s32 $0x37, v2  }
0xad: {  	[tilespmem:s21+$0x1180] =	vst v10;
	v8 =	vld.idx.msk [tilespmem:v8+s2+$0x0], $0xffff  }
0xae: {  	v10 =	vadd.s32 $0x29, v3;
	v11 =	vld.idx.msk [tilespmem:v11+s2+$0x0], $0xffff;
	[tilespmem:s19+$0x2000] =	vst v9  }
0xaf: {  	v9 =	vadd.s32 $0x3C, v6;
	[tilespmem:s24+$0x100] =	vst v13;
	v12 =	vld.idx.msk [tilespmem:v12+s2+$0x0], $0xffff  }
0xb0: {  	v13 =	vadd.s32 $0x2E, v1;
	v15 =	vld.idx.msk [tilespmem:v15+s2+$0x0], $0xffff;
	[tilespmem:s20+$0x2280] =	vst v5  }
0xb1: {  	s26 =	sadd.s32 $0x10, s31;
	[tilespmem:s22+$0x380] =	vst v16;
	v16 =	vadd.s32 $0x33, v0;
	v17 =	vld.idx.msk [tilespmem:v7+s2+$0x0], $0xffff  }
0xb2: {  	v18 =	vadd.s32 $0x25, v4;
	v7 =	vld [tilespmem:s26+$0x0]  }
0xb3: {  	v10 =	vld.idx.msk [tilespmem:v10+s2+$0x0], $0xffff;
	[tilespmem:s23+$0x3100] =	vst v8;
	v8 =	vadd.s32 $0x38, v2  }
0xb4: {  	[tilespmem:s21+$0x1200] =	vst v11;
	v11 =	vadd.s32 $0x2A, v3;
	v9 =	vld.idx.msk [tilespmem:v9+s2+$0x0], $0xffff  }
0xb5: {  	v5 =	vmul.u32 $0x21, v14;
	v13 =	vld.idx.msk [tilespmem:v13+s2+$0x0], $0xffff;
	[tilespmem:s19+$0x2080] =	vst v12;
	v12 =	vadd.s32 $0x3D, v6  }
0xb6: {  	v14 =	vadd.s32 $0x2F, v1;
	[tilespmem:s24+$0x180] =	vst v15;
	v15 =	vld.idx.msk [tilespmem:v16+s2+$0x0], $0xffff  }
0xb7: {  	v16 =	vadd.s32 $0x21, v5;
	v18 =	vld.idx.msk [tilespmem:v18+s2+$0x0], $0xffff;
	[tilespmem:s20+$0x2300] =	vst v17  }
0xb8: {  	[tilespmem:s22+$0x1000] =	vst v10;
	v10 =	vadd.s32 $0x34, v0;
	v8 =	vld.idx.msk [tilespmem:v8+s2+$0x0], $0xffff  }
0xb9: {  	v17 =	vadd.s32 $0x26, v4;
	v11 =	vld.idx.msk [tilespmem:v11+s2+$0x0], $0xffff;
	[tilespmem:s23+$0x3180] =	vst v9  }
0xba: {  	v9 =	vadd.s32 $0x39, v2;
	[tilespmem:s21+$0x1280] =	vst v13;
	v12 =	vld.idx.msk [tilespmem:v12+s2+$0x0], $0xffff  }
0xbb: {  	v13 =	vadd.s32 $0x2B, v3;
	v14 =	vld.idx.msk [tilespmem:v14+s2+$0x0], $0xffff  }
0xbc: {  	v16 =	vld.idx.msk [tilespmem:v16+s2+$0x0], $0xffff;
	[tilespmem:s19+$0x2100] =	vst v15;
	v15 =	vadd.s32 $0x3E, v6  }
0xbd: {  	[tilespmem:s24+$0x200] =	vst v18;
	v18 =	vadd.s32 $0x30, v1;
	v10 =	vld.idx.msk [tilespmem:v10+s2+$0x0], $0xffff  }
0xbe: {  	s31 =	simm.s32 $0x300;
	v19 =	vadd.s32 $0x22, v5;
	v17 =	vld.idx.msk [tilespmem:v17+s2+$0x0], $0xffff;
	[tilespmem:s20+$0x2380] =	vst v8  }
0xbf: {  	s28 =	simm.s32 $0x60;
	s25 =	sand.u32 $0xC00, s31;
	v8 =	vadd.s32 $0x35, v0;
	[tilespmem:s22+$0x1080] =	vst v11;
	v9 =	vld.idx.msk [tilespmem:v9+s2+$0x0], $0xffff  }
0xc0: {  	s29 =	sand.u32 $0x70, s28;
	s25 =	sadd.s32 s25, s18;
	v11 =	vadd.s32 $0x27, v4;
	v13 =	vld.idx.msk [tilespmem:v13+s2+$0x0], $0xffff;
	[tilespmem:s23+$0x3200] =	vst v12  }
0xc1: {  	s25 =	sadd.s32 s29, s25;
	v12 =	vadd.s32 $0x3A, v2;
	[tilespmem:s21+$0x1300] =	vst v14;
	v14 =	vld.idx.msk [tilespmem:v15+s2+$0x0], $0xffff  }
0xc2: {  	[tilespmem:s25+$0x0] =	vst v16;
	v15 =	vadd.s32 $0x2C, v3;
	v16 =	vld.idx.msk [tilespmem:v18+s2+$0x0], $0xffff  }
0xc3: {  	v18 =	vld.idx.msk [tilespmem:v19+s2+$0x0], $0xffff;
	[tilespmem:s19+$0x2180] =	vst v10;
	v10 =	vadd.s32 $0x3F, v6  }
0xc4: {  	[tilespmem:s24+$0x280] =	vst v17;
	v17 =	vadd.s32 $0x31, v1;
	v8 =	vld.idx.msk [tilespmem:v8+s2+$0x0], $0xffff  }
0xc5: {  	v19 =	vadd.s32 $0x23, v5;
	v11 =	vld.idx.msk [tilespmem:v11+s2+$0x0], $0xffff;
	[tilespmem:s20+$0x3000] =	vst v9  }
0xc6: {  	v9 =	vadd.s32 $0x36, v0;
	[tilespmem:s22+$0x1100] =	vst v13;
	v12 =	vld.idx.msk [tilespmem:v12+s2+$0x0], $0xffff  }
0xc7: {  	v13 =	vadd.s32 $0x28, v4;
	v20 =	vld.idx.msk [tilespmem:v15+s2+$0x0], $0xffff;
	[tilespmem:s23+$0x3280] =	vst v14  }
0xc8: {  	[tilespmem:s21+$0x1380] =	vst v16;
	v14 =	vadd.s32 $0x3B, v2;
	v16 =	vld.idx.msk [tilespmem:v10+s2+$0x0], $0xffff  }
0xc9: {  	[tilespmem:s25+$0x80] =	vst v18;
	v18 =	vadd.s32 $0x2D, v3;
	v17 =	vld.idx.msk [tilespmem:v17+s2+$0x0], $0xffff  }
0xca: {  	v6 =	vadd.s32 $0x40, v6;
	v19 =	vld.idx.msk [tilespmem:v19+s2+$0x0], $0xffff;
	[tilespmem:s19+$0x2200] =	vst v8  }
0xcb: {  	[tilespmem:s24+$0x300] =	vst v11;
	v8 =	vadd.s32 $0x32, v1;
	v21 =	vld.idx.msk [tilespmem:v9+s2+$0x0], $0xffff  }
0xcc: {  	v22 =	vadd.s32 $0x24, v5;
	v15 =	vld.idx.msk [tilespmem:v13+s2+$0x0], $0xffff;
	[tilespmem:s20+$0x3080] =	vst v12  }
0xcd: {  	v12 =	vadd.s32 $0x37, v0;
	[tilespmem:s22+$0x1180] =	vst v20;
	v10 =	vld.idx.msk [tilespmem:v14+s2+$0x0], $0xffff  }
0xce: {  	v13 =	vld.idx.msk [tilespmem:v18+s2+$0x0], $0xffff;
	[tilespmem:s23+$0x3300] =	vst v16;
	v16 =	vadd.s32 $0x29, v4  }
0xcf: {  	v9 =	vadd.s32 $0x3C, v2;
	[tilespmem:s21+$0x2000] =	vst v17;
	v11 =	vld.idx.msk [tilespmem:v6+s2+$0x0], $0xffff  }
0xd0: {  	v14 =	vadd.s32 $0x2E, v3;
	[tilespmem:s25+$0x100] =	vst v19;
	v8 =	vld.idx.msk [tilespmem:v8+s2+$0x0], $0xffff  }
0xd1: {  	s30 =	simm.s32 $0x400;
	s29 =	simm.s32 $0x380;
	v17 =	vld.idx.msk [tilespmem:v22+s2+$0x0], $0xffff;
	[tilespmem:s19+$0x2280] =	vst v21  }
.LBB2_3:
0xd2: {  	p0 =	sne.s32 s30, $0xF80;
	[tilespmem:s24+$0x380] =	vst v15;
	v6 =	vadd.s32 $0x33, v1;
	v12 =	vld.idx.msk [tilespmem:v12+s2+$0x0], $0xffff  }
0xd3: {  	v15 =	vadd.s32 $0x25, v5;
	v16 =	vld.idx.msk [tilespmem:v16+s2+$0x0], $0xffff;
	[tilespmem:s20+$0x3100] =	vst v10  }
0xd4: {  	v10 =	vadd.s32 $0x38, v0;
	[tilespmem:s22+$0x1200] =	vst v13;
	v9 =	vld.idx.msk [tilespmem:v9+s2+$0x0], $0xffff  }
0xd5: {  	s26 =	sadd.s32 $0x10, s26;
	v13 =	vadd.s32 $0x2A, v4;
	v14 =	vld.idx.msk [tilespmem:v14+s2+$0x0], $0xffff;
	[tilespmem:s23+$0x3380] =	vst v11;
	s23 =	smov.u32 s20;
	s20 =	smov.u32 s19  }
0xd6: {  	v11 =	vmul.u32 $0x21, v7;
	s19 =	smov.u32 s21;
	v7 =	vld [tilespmem:s26+$0x0];
	[tilespmem:s21+$0x2080] =	vst v8;
	v8 =	vadd.s32 $0x3D, v2;
	s21 =	smov.u32 s22;
	s22 =	smov.u32 s24  }
0xd7: {  	s24 =	smov.u32 s25;
	[tilespmem:s25+$0x180] =	vst v17;
	v17 =	vadd.s32 $0x2F, v3;
	v6 =	vld.idx.msk [tilespmem:v6+s2+$0x0], $0xffff  }
0xd8: {  	v18 =	vadd.s32 $0x21, v11;
	v15 =	vld.idx.msk [tilespmem:v15+s2+$0x0], $0xffff;
	[tilespmem:s20+$0x2300] =	vst v12  }
0xd9: {  	v12 =	vadd.s32 $0x34, v1;
	[tilespmem:s22+$0x1000] =	vst v16;
	v10 =	vld.idx.msk [tilespmem:v10+s2+$0x0], $0xffff  }
0xda: {  	v16 =	vadd.s32 $0x26, v5;
	v13 =	vld.idx.msk [tilespmem:v13+s2+$0x0], $0xffff;
	[tilespmem:s23+$0x3180] =	vst v9  }
0xdb: {  	v9 =	vadd.s32 $0x39, v0;
	[tilespmem:s21+$0x1280] =	vst v14;
	v8 =	vld.idx.msk [tilespmem:v8+s2+$0x0], $0xffff  }
0xdc: {  	v14 =	vadd.s32 $0x2B, v4;
	v17 =	vld.idx.msk [tilespmem:v17+s2+$0x0], $0xffff  }
0xdd: {  	v18 =	vld.idx.msk [tilespmem:v18+s2+$0x0], $0xffff;
	[tilespmem:s19+$0x2100] =	vst v6;
	v6 =	vadd.s32 $0x3E, v2  }
0xde: {  	[tilespmem:s24+$0x200] =	vst v15;
	v15 =	vadd.s32 $0x30, v3;
	v12 =	vld.idx.msk [tilespmem:v12+s2+$0x0], $0xffff  }
0xdf: {  	v19 =	vadd.s32 $0x22, v11;
	v16 =	vld.idx.msk [tilespmem:v16+s2+$0x0], $0xffff;
	[tilespmem:s20+$0x2380] =	vst v10  }
0xe0: {  	s28 =	sadd.s32 $0x10, s28;
	s25 =	sand.u32 $0xC00, s29;
	s29 =	smov.u32 s30;
	v10 =	vadd.s32 $0x35, v1;
	[tilespmem:s22+$0x1080] =	vst v13;
	v9 =	vld.idx.msk [tilespmem:v9+s2+$0x0], $0xffff  }
0xe1: {  	s31 =	sand.u32 $0x70, s28;
	s25 =	sadd.s32 s25, s18;
	v13 =	vadd.s32 $0x27, v5;
	v14 =	vld.idx.msk [tilespmem:v14+s2+$0x0], $0xffff;
	[tilespmem:s23+$0x3200] =	vst v8  }
0xe2: {  	s25 =	sadd.s32 s31, s25;
	v8 =	vadd.s32 $0x3A, v0;
	[tilespmem:s21+$0x1300] =	vst v17;
	v6 =	vld.idx.msk [tilespmem:v6+s2+$0x0], $0xffff  }
0xe3: {  	v17 =	vadd.s32 $0x2C, v4;
	[tilespmem:s25+$0x0] =	vst v18;
	v15 =	vld.idx.msk [tilespmem:v15+s2+$0x0], $0xffff  }
0xe4: {  	v18 =	vld.idx.msk [tilespmem:v19+s2+$0x0], $0xffff;
	[tilespmem:s19+$0x2180] =	vst v12;
	v12 =	vadd.s32 $0x3F, v2  }
0xe5: {  	[tilespmem:s24+$0x280] =	vst v16;
	v16 =	vadd.s32 $0x31, v3;
	v10 =	vld.idx.msk [tilespmem:v10+s2+$0x0], $0xffff  }
0xe6: {  	v19 =	vadd.s32 $0x23, v11;
	v13 =	vld.idx.msk [tilespmem:v13+s2+$0x0], $0xffff;
	[tilespmem:s20+$0x3000] =	vst v9  }
0xe7: {  	v9 =	vadd.s32 $0x36, v1;
	[tilespmem:s22+$0x1100] =	vst v14;
	v8 =	vld.idx.msk [tilespmem:v8+s2+$0x0], $0xffff  }
0xe8: {  	v14 =	vadd.s32 $0x28, v5;
	v17 =	vld.idx.msk [tilespmem:v17+s2+$0x0], $0xffff;
	[tilespmem:s23+$0x3280] =	vst v6  }
0xe9: {  	v6 =	vadd.s32 $0x3B, v0;
	[tilespmem:s21+$0x1380] =	vst v15;
	v20 =	vld.idx.msk [tilespmem:v12+s2+$0x0], $0xffff  }
0xea: {  	[tilespmem:s25+$0x80] =	vst v18;
	v18 =	vadd.s32 $0x2D, v4;
	v21 =	vld.idx.msk [tilespmem:v16+s2+$0x0], $0xffff  }
0xeb: {  	v22 =	vadd.s32 $0x40, v2;
	v2 =	vmovc v0;
	v0 =	vmovc v1;
	v1 =	vmov v3;
	v3 =	vmov v4;
	v19 =	vld.idx.msk [tilespmem:v19+s2+$0x0], $0xffff;
	[tilespmem:s19+$0x2200] =	vst v10  }
0xec: {  	v23 =	vadd.s32 $0x32, v1;
	v4 =	vmov v5;
	v5 =	vmov v11;
	[tilespmem:s24+$0x300] =	vst v13;
	v24 =	vld.idx.msk [tilespmem:v9+s2+$0x0], $0xffff  }
0xed: {  	v25 =	vadd.s32 $0x24, v5;
	v15 =	vld.idx.msk [tilespmem:v14+s2+$0x0], $0xffff;
	[tilespmem:s20+$0x3080] =	vst v8  }
.Ltmp0:
0xee: {  	v12 =	vadd.s32 $0x37, v0;
	[tilespmem:s22+$0x1180] =	vst v17;
	v10 =	vld.idx.msk [tilespmem:v6+s2+$0x0], $0xffff;
	(pc) =	sbr.rel @p0 .LBB2_3-.Ltmp0, $4  }
0xef: {  	v16 =	vadd.s32 $0x29, v4;
	v13 =	vld.idx.msk [tilespmem:v18+s2+$0x0], $0xffff;
	[tilespmem:s23+$0x3300] =	vst v20  }
0xf0: {  	v9 =	vadd.s32 $0x3C, v2;
	[tilespmem:s21+$0x2000] =	vst v21;
	v11 =	vld.idx.msk [tilespmem:v22+s2+$0x0], $0xffff  }
0xf1: {  	v14 =	vadd.s32 $0x2E, v3;
	[tilespmem:s25+$0x100] =	vst v19;
	v8 =	vld.idx.msk [tilespmem:v23+s2+$0x0], $0xffff  }
0xf2: {  	s30 =	sadd.s32 $0x80, s30;
	v17 =	vld.idx.msk [tilespmem:v25+s2+$0x0], $0xffff;
	[tilespmem:s19+$0x2280] =	vst v24  }
0xf3: {  	v6 =	vmul.u32 $0x21, v7;
	_ =	sdelay $0x1  }
0xf4: {  	v7 =	vadd.s32 $0x21, v6;
	_ =	sdelay $0x4  }
0xf5: {  	v7 =	vld.idx.msk [tilespmem:v7+s2+$0x0], $0xffff  }
0xf6: {  	v18 =	vadd.s32 $0x22, v6  }
0xf7: {  	s26 =	sand.u32 $0xC00, s29;
	s28 =	sadd.s32 $0x10, s28  }
0xf8: {  	s28 =	sand.u32 $0x70, s28;
	s26 =	sadd.s32 s26, s18  }
0xf9: {  	s26 =	sadd.s32 s28, s26  }
0xfa: {  	[tilespmem:s26+$0x0] =	vst v7  }
0xfb: {  	v7 =	vld.idx.msk [tilespmem:v18+s2+$0x0], $0xffff  }
0xfc: {  	v49 =	vadd.s32 $0x23, v6;
	_ =	sdelay $0x3  }
0xfd: {  	[tilespmem:s26+$0x80] =	vst v7  }
0xfe: {  	v7 =	vld.idx.msk [tilespmem:v49+s2+$0x0], $0xffff  }
0xff: {  	v50 =	vadd.s32 $0x24, v6;
	_ =	sdelay $0x3  }
0x100: {  	[tilespmem:s26+$0x100] =	vst v7  }
0x101: {  	v51 =	vadd.s32 $0x25, v5;
	v18 =	vld.idx.msk [tilespmem:v50+s2+$0x0], $0xffff  }
0x102: {  	v19 =	vadd.s32 $0x25, v6;
	_ =	sdelay $0x2  }
0x103: {  	[tilespmem:s25+$0x180] =	vst v17  }
0x104: {  	v7 =	vld.idx.msk [tilespmem:v51+s2+$0x0], $0xffff;
	[tilespmem:s26+$0x180] =	vst v18  }
0x105: {  	v52 =	vadd.s32 $0x26, v5;
	v18 =	vld.idx.msk [tilespmem:v19+s2+$0x0], $0xffff  }
0x106: {  	v53 =	vadd.s32 $0x26, v6;
	_ =	sdelay $0x2  }
0x107: {  	[tilespmem:s25+$0x200] =	vst v7  }
0x108: {  	v7 =	vld.idx.msk [tilespmem:v52+s2+$0x0], $0xffff;
	[tilespmem:s26+$0x200] =	vst v18  }
0x109: {  	v54 =	vadd.s32 $0x27, v5;
	v18 =	vld.idx.msk [tilespmem:v53+s2+$0x0], $0xffff  }
0x10a: {  	v55 =	vadd.s32 $0x27, v6;
	_ =	sdelay $0x2  }
0x10b: {  	[tilespmem:s25+$0x280] =	vst v7  }
0x10c: {  	v7 =	vld.idx.msk [tilespmem:v54+s2+$0x0], $0xffff;
	[tilespmem:s26+$0x280] =	vst v18  }
0x10d: {  	v56 =	vadd.s32 $0x28, v5;
	v18 =	vld.idx.msk [tilespmem:v55+s2+$0x0], $0xffff  }
0x10e: {  	v57 =	vadd.s32 $0x28, v6;
	_ =	sdelay $0x2  }
0x10f: {  	[tilespmem:s25+$0x300] =	vst v7  }
0x110: {  	v7 =	vld.idx.msk [tilespmem:v56+s2+$0x0], $0xffff;
	[tilespmem:s26+$0x300] =	vst v18  }
0x111: {  	v58 =	vadd.s32 $0x29, v5;
	v18 =	vld.idx.msk [tilespmem:v57+s2+$0x0], $0xffff  }
0x112: {  	v59 =	vadd.s32 $0x29, v6;
	_ =	sdelay $0x1  }
0x113: {  	[tilespmem:s24+$0x380] =	vst v15  }
0x114: {  	v15 =	vld.idx.msk [tilespmem:v16+s2+$0x0], $0xffff;
	[tilespmem:s25+$0x380] =	vst v7  }
0x115: {  	v60 =	vadd.s32 $0x2A, v4;
	v61 =	vld.idx.msk [tilespmem:v58+s2+$0x0], $0xffff;
	[tilespmem:s26+$0x380] =	vst v18  }
0x116: {  	v62 =	vadd.s32 $0x2A, v5;
	v18 =	vld.idx.msk [tilespmem:v59+s2+$0x0], $0xffff  }
0x117: {  	v63 =	vadd.s32 $0x2A, v6;
	_ =	sdelay $0x1  }
0x118: {  	[tilespmem:s24+$0x1000] =	vst v15  }
0x119: {  	v7 =	vld.idx.msk [tilespmem:v60+s2+$0x0], $0xffff;
	[tilespmem:s25+$0x1000] =	vst v61  }
0x11a: {  	v21 =	vadd.s32 $0x2B, v4;
	v16 =	vld.idx.msk [tilespmem:v62+s2+$0x0], $0xffff;
	[tilespmem:s26+$0x1000] =	vst v18  }
0x11b: {  	v22 =	vadd.s32 $0x2B, v5;
	v18 =	vld.idx.msk [tilespmem:v63+s2+$0x0], $0xffff  }
0x11c: {  	v23 =	vadd.s32 $0x2B, v6;
	_ =	sdelay $0x1  }
0x11d: {  	[tilespmem:s24+$0x1080] =	vst v7  }
0x11e: {  	v7 =	vld.idx.msk [tilespmem:v21+s2+$0x0], $0xffff;
	[tilespmem:s25+$0x1080] =	vst v16  }
0x11f: {  	v24 =	vadd.s32 $0x2C, v4;
	v16 =	vld.idx.msk [tilespmem:v22+s2+$0x0], $0xffff;
	[tilespmem:s26+$0x1080] =	vst v18  }
0x120: {  	v25 =	vadd.s32 $0x2C, v5;
	v18 =	vld.idx.msk [tilespmem:v23+s2+$0x0], $0xffff  }
0x121: {  	v26 =	vadd.s32 $0x2C, v6;
	_ =	sdelay $0x1  }
0x122: {  	[tilespmem:s24+$0x1100] =	vst v7  }
0x123: {  	v7 =	vld.idx.msk [tilespmem:v24+s2+$0x0], $0xffff;
	[tilespmem:s25+$0x1100] =	vst v16  }
0x124: {  	v27 =	vadd.s32 $0x2D, v4;
	v16 =	vld.idx.msk [tilespmem:v25+s2+$0x0], $0xffff;
	[tilespmem:s26+$0x1100] =	vst v18  }
0x125: {  	v28 =	vadd.s32 $0x2D, v5;
	v18 =	vld.idx.msk [tilespmem:v26+s2+$0x0], $0xffff  }
0x126: {  	v29 =	vadd.s32 $0x2D, v6;
	_ =	sdelay $0x1  }
0x127: {  	[tilespmem:s24+$0x1180] =	vst v7  }
0x128: {  	v7 =	vld.idx.msk [tilespmem:v27+s2+$0x0], $0xffff;
	[tilespmem:s25+$0x1180] =	vst v16  }
0x129: {  	v30 =	vadd.s32 $0x2E, v4;
	v16 =	vld.idx.msk [tilespmem:v28+s2+$0x0], $0xffff;
	[tilespmem:s26+$0x1180] =	vst v18  }
0x12a: {  	v31 =	vadd.s32 $0x2E, v5;
	v18 =	vld.idx.msk [tilespmem:v29+s2+$0x0], $0xffff  }
0x12b: {  	v32 =	vadd.s32 $0x2E, v6  }
0x12c: {  	[tilespmem:s22+$0x1200] =	vst v13  }
0x12d: {  	v13 =	vld.idx.msk [tilespmem:v14+s2+$0x0], $0xffff;
	[tilespmem:s24+$0x1200] =	vst v7  }
0x12e: {  	v33 =	vadd.s32 $0x2F, v3;
	v34 =	vld.idx.msk [tilespmem:v30+s2+$0x0], $0xffff;
	[tilespmem:s25+$0x1200] =	vst v16  }
0x12f: {  	v35 =	vadd.s32 $0x2F, v4;
	v16 =	vld.idx.msk [tilespmem:v31+s2+$0x0], $0xffff;
	[tilespmem:s26+$0x1200] =	vst v18  }
0x130: {  	v36 =	vadd.s32 $0x2F, v5;
	v18 =	vld.idx.msk [tilespmem:v32+s2+$0x0], $0xffff  }
0x131: {  	v37 =	vadd.s32 $0x2F, v6  }
0x132: {  	[tilespmem:s22+$0x1280] =	vst v13  }
0x133: {  	v7 =	vld.idx.msk [tilespmem:v33+s2+$0x0], $0xffff;
	[tilespmem:s24+$0x1280] =	vst v34  }
0x134: {  	v38 =	vadd.s32 $0x30, v3;
	v14 =	vld.idx.msk [tilespmem:v35+s2+$0x0], $0xffff;
	[tilespmem:s25+$0x1280] =	vst v16  }
0x135: {  	v39 =	vadd.s32 $0x30, v4;
	v16 =	vld.idx.msk [tilespmem:v36+s2+$0x0], $0xffff;
	[tilespmem:s26+$0x1280] =	vst v18  }
0x136: {  	v40 =	vadd.s32 $0x30, v5;
	v18 =	vld.idx.msk [tilespmem:v37+s2+$0x0], $0xffff  }
0x137: {  	v41 =	vadd.s32 $0x30, v6  }
0x138: {  	[tilespmem:s22+$0x1300] =	vst v7  }
0x139: {  	v7 =	vld.idx.msk [tilespmem:v38+s2+$0x0], $0xffff;
	[tilespmem:s24+$0x1300] =	vst v14  }
0x13a: {  	v42 =	vadd.s32 $0x31, v3;
	v14 =	vld.idx.msk [tilespmem:v39+s2+$0x0], $0xffff;
	[tilespmem:s25+$0x1300] =	vst v16  }
0x13b: {  	v43 =	vadd.s32 $0x31, v4;
	v16 =	vld.idx.msk [tilespmem:v40+s2+$0x0], $0xffff;
	[tilespmem:s26+$0x1300] =	vst v18  }
0x13c: {  	v44 =	vadd.s32 $0x31, v5;
	v18 =	vld.idx.msk [tilespmem:v41+s2+$0x0], $0xffff  }
0x13d: {  	v45 =	vadd.s32 $0x31, v6  }
0x13e: {  	[tilespmem:s22+$0x1380] =	vst v7  }
0x13f: {  	v7 =	vld.idx.msk [tilespmem:v42+s2+$0x0], $0xffff;
	[tilespmem:s24+$0x1380] =	vst v14  }
0x140: {  	v46 =	vadd.s32 $0x32, v3;
	v14 =	vld.idx.msk [tilespmem:v43+s2+$0x0], $0xffff;
	[tilespmem:s25+$0x1380] =	vst v16  }
0x141: {  	v47 =	vadd.s32 $0x32, v4;
	v16 =	vld.idx.msk [tilespmem:v44+s2+$0x0], $0xffff;
	[tilespmem:s26+$0x1380] =	vst v18  }
0x142: {  	[tilespmem:s20+$0x3100] =	vst v10;
	v48 =	vadd.s32 $0x32, v5;
	v49 =	vld.idx.msk [tilespmem:v45+s2+$0x0], $0xffff  }
0x143: {  	[tilespmem:s23+$0x3380] =	vst v11;
	v50 =	vadd.s32 $0x32, v6  }
0x144: {  	v12 =	vld.idx.msk [tilespmem:v12+s2+$0x0], $0xffff;
	[tilespmem:s22+$0x2000] =	vst v7  }
0x145: {  	v51 =	vadd.s32 $0x33, v1;
	v13 =	vld.idx.msk [tilespmem:v46+s2+$0x0], $0xffff;
	[tilespmem:s24+$0x2000] =	vst v14  }
0x146: {  	v52 =	vadd.s32 $0x33, v3;
	v15 =	vld.idx.msk [tilespmem:v47+s2+$0x0], $0xffff;
	[tilespmem:s25+$0x2000] =	vst v16  }
0x147: {  	v53 =	vadd.s32 $0x33, v4;
	v10 =	vld.idx.msk [tilespmem:v48+s2+$0x0], $0xffff;
	[tilespmem:s26+$0x2000] =	vst v49  }
0x148: {  	[tilespmem:s21+$0x2080] =	vst v8;
	v54 =	vadd.s32 $0x33, v5;
	v11 =	vld.idx.msk [tilespmem:v50+s2+$0x0], $0xffff  }
0x149: {  	v9 =	vld.idx.msk [tilespmem:v9+s2+$0x0], $0xffff;
	[tilespmem:s19+$0x2300] =	vst v12;
	v55 =	vadd.s32 $0x33, v6  }
0x14a: {  	v56 =	vadd.s32 $0x38, v0;
	v7 =	vld.idx.msk [tilespmem:v51+s2+$0x0], $0xffff;
	[tilespmem:s22+$0x2080] =	vst v13  }
0x14b: {  	v57 =	vadd.s32 $0x34, v1;
	v14 =	vld.idx.msk [tilespmem:v52+s2+$0x0], $0xffff;
	[tilespmem:s24+$0x2080] =	vst v15  }
0x14c: {  	v58 =	vadd.s32 $0x34, v3;
	v16 =	vld.idx.msk [tilespmem:v53+s2+$0x0], $0xffff;
	[tilespmem:s25+$0x2080] =	vst v10  }
0x14d: {  	v59 =	vadd.s32 $0x34, v4;
	v8 =	vld.idx.msk [tilespmem:v54+s2+$0x0], $0xffff;
	[tilespmem:s26+$0x2080] =	vst v11  }
0x14e: {  	[tilespmem:s20+$0x3180] =	vst v9;
	v60 =	vadd.s32 $0x34, v5;
	v11 =	vld.idx.msk [tilespmem:v55+s2+$0x0], $0xffff  }
0x14f: {  	v61 =	vld.idx.msk [tilespmem:v56+s2+$0x0], $0xffff;
	v62 =	vadd.s32 $0x34, v6;
	[tilespmem:s21+$0x2100] =	vst v7  }
0x150: {  	v63 =	vadd.s32 $0x3D, v2;
	v13 =	vld.idx.msk [tilespmem:v57+s2+$0x0], $0xffff;
	[tilespmem:s22+$0x2100] =	vst v14  }
0x151: {  	v20 =	vadd.s32 $0x35, v1;
	v15 =	vld.idx.msk [tilespmem:v58+s2+$0x0], $0xffff;
	[tilespmem:s24+$0x2100] =	vst v16  }
0x152: {  	v21 =	vadd.s32 $0x35, v3;
	v10 =	vld.idx.msk [tilespmem:v59+s2+$0x0], $0xffff;
	[tilespmem:s25+$0x2100] =	vst v8  }
0x153: {  	v22 =	vadd.s32 $0x35, v4;
	v9 =	vld.idx.msk [tilespmem:v60+s2+$0x0], $0xffff;
	[tilespmem:s26+$0x2100] =	vst v11  }
0x154: {  	[tilespmem:s19+$0x2380] =	vst v61;
	v23 =	vadd.s32 $0x35, v5;
	v7 =	vld.idx.msk [tilespmem:v62+s2+$0x0], $0xffff  }
0x155: {  	v24 =	vld.idx.msk [tilespmem:v63+s2+$0x0], $0xffff;
	v25 =	vadd.s32 $0x35, v6;
	[tilespmem:s21+$0x2180] =	vst v13  }
0x156: {  	v26 =	vadd.s32 $0x39, v0;
	v14 =	vld.idx.msk [tilespmem:v20+s2+$0x0], $0xffff;
	[tilespmem:s22+$0x2180] =	vst v15  }
0x157: {  	v27 =	vadd.s32 $0x36, v1;
	v16 =	vld.idx.msk [tilespmem:v21+s2+$0x0], $0xffff;
	[tilespmem:s24+$0x2180] =	vst v10  }
0x158: {  	v28 =	vadd.s32 $0x36, v3;
	v8 =	vld.idx.msk [tilespmem:v22+s2+$0x0], $0xffff;
	[tilespmem:s25+$0x2180] =	vst v9  }
0x159: {  	v29 =	vadd.s32 $0x36, v4;
	v11 =	vld.idx.msk [tilespmem:v23+s2+$0x0], $0xffff;
	[tilespmem:s26+$0x2180] =	vst v7  }
0x15a: {  	[tilespmem:s20+$0x3200] =	vst v24;
	v30 =	vadd.s32 $0x36, v5;
	v31 =	vld.idx.msk [tilespmem:v25+s2+$0x0], $0xffff  }
0x15b: {  	v33 =	vadd.s32 $0x36, v6;
	v32 =	vld.idx.msk [tilespmem:v26+s2+$0x0], $0xffff;
	[tilespmem:s21+$0x2200] =	vst v14  }
0x15c: {  	v34 =	vadd.s32 $0x3E, v2;
	v15 =	vld.idx.msk [tilespmem:v27+s2+$0x0], $0xffff;
	[tilespmem:s22+$0x2200] =	vst v16  }
0x15d: {  	v35 =	vadd.s32 $0x37, v1;
	v10 =	vld.idx.msk [tilespmem:v28+s2+$0x0], $0xffff;
	[tilespmem:s24+$0x2200] =	vst v8  }
0x15e: {  	v36 =	vadd.s32 $0x37, v3;
	v9 =	vld.idx.msk [tilespmem:v29+s2+$0x0], $0xffff;
	[tilespmem:s25+$0x2200] =	vst v11  }
0x15f: {  	v37 =	vadd.s32 $0x37, v4;
	v7 =	vld.idx.msk [tilespmem:v30+s2+$0x0], $0xffff;
	[tilespmem:s26+$0x2200] =	vst v31  }
0x160: {  	v38 =	vadd.s32 $0x37, v5;
	[tilespmem:s19+$0x3000] =	vst v32;
	v39 =	vld.idx.msk [tilespmem:v33+s2+$0x0], $0xffff  }
0x161: {  	v40 =	vld.idx.msk [tilespmem:v34+s2+$0x0], $0xffff;
	v41 =	vadd.s32 $0x37, v6;
	[tilespmem:s21+$0x2280] =	vst v15  }
0x162: {  	v42 =	vadd.s32 $0x3A, v0;
	v16 =	vld.idx.msk [tilespmem:v35+s2+$0x0], $0xffff;
	[tilespmem:s22+$0x2280] =	vst v10  }
0x163: {  	v43 =	vadd.s32 $0x38, v1;
	v8 =	vld.idx.msk [tilespmem:v36+s2+$0x0], $0xffff;
	[tilespmem:s24+$0x2280] =	vst v9  }
0x164: {  	v44 =	vadd.s32 $0x38, v3;
	v11 =	vld.idx.msk [tilespmem:v37+s2+$0x0], $0xffff;
	[tilespmem:s25+$0x2280] =	vst v7  }
0x165: {  	v45 =	vadd.s32 $0x38, v4;
	v12 =	vld.idx.msk [tilespmem:v38+s2+$0x0], $0xffff;
	[tilespmem:s26+$0x2280] =	vst v39  }
0x166: {  	v46 =	vadd.s32 $0x38, v5;
	[tilespmem:s20+$0x3280] =	vst v40;
	v47 =	vld.idx.msk [tilespmem:v41+s2+$0x0], $0xffff  }
0x167: {  	v48 =	vld.idx.msk [tilespmem:v42+s2+$0x0], $0xffff;
	v49 =	vadd.s32 $0x38, v6;
	[tilespmem:s21+$0x2300] =	vst v16  }
0x168: {  	v58 =	vadd.s32 $0x3B, v0;
	v10 =	vld.idx.msk [tilespmem:v43+s2+$0x0], $0xffff;
	[tilespmem:s22+$0x2300] =	vst v8  }
0x169: {  	v51 =	vadd.s32 $0x39, v1;
	v9 =	vld.idx.msk [tilespmem:v44+s2+$0x0], $0xffff;
	[tilespmem:s24+$0x2300] =	vst v11  }
0x16a: {  	v52 =	vadd.s32 $0x39, v3;
	v7 =	vld.idx.msk [tilespmem:v45+s2+$0x0], $0xffff;
	[tilespmem:s25+$0x2300] =	vst v12  }
0x16b: {  	v53 =	vadd.s32 $0x39, v4;
	v13 =	vld.idx.msk [tilespmem:v46+s2+$0x0], $0xffff;
	[tilespmem:s26+$0x2300] =	vst v47  }
0x16c: {  	[tilespmem:s19+$0x3080] =	vst v48;
	v54 =	vadd.s32 $0x39, v5;
	v55 =	vld.idx.msk [tilespmem:v49+s2+$0x0], $0xffff  }
0x16d: {  	v57 =	vadd.s32 $0x39, v6;
	v63 =	vld.idx.msk [tilespmem:v58+s2+$0x0], $0xffff;
	[tilespmem:s21+$0x2380] =	vst v10  }
0x16e: {  	v50 =	vadd.s32 $0x3F, v2;
	v8 =	vld.idx.msk [tilespmem:v51+s2+$0x0], $0xffff;
	[tilespmem:s22+$0x2380] =	vst v9  }
0x16f: {  	v59 =	vadd.s32 $0x3A, v1;
	v11 =	vld.idx.msk [tilespmem:v52+s2+$0x0], $0xffff;
	[tilespmem:s24+$0x2380] =	vst v7  }
0x170: {  	v60 =	vadd.s32 $0x3A, v3;
	v12 =	vld.idx.msk [tilespmem:v53+s2+$0x0], $0xffff;
	[tilespmem:s25+$0x2380] =	vst v13  }
0x171: {  	v61 =	vadd.s32 $0x3A, v4;
	v14 =	vld.idx.msk [tilespmem:v54+s2+$0x0], $0xffff;
	[tilespmem:s26+$0x2380] =	vst v55  }
0x172: {  	[tilespmem:s19+$0x3100] =	vst v63;
	v62 =	vadd.s32 $0x3A, v5;
	v10 =	vld.idx.msk [tilespmem:v57+s2+$0x0], $0xffff  }
0x173: {  	v19 =	vadd.s32 $0x3A, v6;
	v56 =	vld.idx.msk [tilespmem:v50+s2+$0x0], $0xffff;
	[tilespmem:s21+$0x3000] =	vst v8  }
0x174: {  	v20 =	vadd.s32 $0x40, v2;
	v9 =	vld.idx.msk [tilespmem:v59+s2+$0x0], $0xffff;
	[tilespmem:s22+$0x3000] =	vst v11  }
0x175: {  	v21 =	vadd.s32 $0x3B, v1;
	v7 =	vld.idx.msk [tilespmem:v60+s2+$0x0], $0xffff;
	[tilespmem:s24+$0x3000] =	vst v12  }
0x176: {  	v22 =	vadd.s32 $0x3B, v3;
	v13 =	vld.idx.msk [tilespmem:v61+s2+$0x0], $0xffff;
	[tilespmem:s25+$0x3000] =	vst v14  }
0x177: {  	v23 =	vadd.s32 $0x3B, v4;
	v15 =	vld.idx.msk [tilespmem:v62+s2+$0x0], $0xffff;
	[tilespmem:s26+$0x3000] =	vst v10  }
0x178: {  	v24 =	vadd.s32 $0x3B, v5;
	[tilespmem:s20+$0x3300] =	vst v56;
	v8 =	vld.idx.msk [tilespmem:v19+s2+$0x0], $0xffff  }
0x179: {  	v2 =	vld.idx.msk [tilespmem:v20+s2+$0x0], $0xffff;
	v25 =	vadd.s32 $0x3B, v6;
	[tilespmem:s21+$0x3080] =	vst v9  }
0x17a: {  	v26 =	vadd.s32 $0x3C, v0;
	v11 =	vld.idx.msk [tilespmem:v21+s2+$0x0], $0xffff;
	[tilespmem:s22+$0x3080] =	vst v7  }
0x17b: {  	v27 =	vadd.s32 $0x3C, v1;
	v12 =	vld.idx.msk [tilespmem:v22+s2+$0x0], $0xffff;
	[tilespmem:s24+$0x3080] =	vst v13  }
0x17c: {  	v28 =	vadd.s32 $0x3C, v3;
	v14 =	vld.idx.msk [tilespmem:v23+s2+$0x0], $0xffff;
	[tilespmem:s25+$0x3080] =	vst v15  }
0x17d: {  	v29 =	vadd.s32 $0x3C, v4;
	v10 =	vld.idx.msk [tilespmem:v24+s2+$0x0], $0xffff;
	[tilespmem:s26+$0x3080] =	vst v8  }
0x17e: {  	[tilespmem:s20+$0x3380] =	vst v2;
	v30 =	vadd.s32 $0x3C, v5;
	v8 =	vld.idx.msk [tilespmem:v25+s2+$0x0], $0xffff  }
0x17f: {  	v32 =	vadd.s32 $0x3C, v6;
	v31 =	vld.idx.msk [tilespmem:v26+s2+$0x0], $0xffff;
	[tilespmem:s21+$0x3100] =	vst v11  }
0x180: {  	v33 =	vadd.s32 $0x3D, v0;
	v7 =	vld.idx.msk [tilespmem:v27+s2+$0x0], $0xffff;
	[tilespmem:s22+$0x3100] =	vst v12  }
0x181: {  	v34 =	vadd.s32 $0x3D, v1;
	v13 =	vld.idx.msk [tilespmem:v28+s2+$0x0], $0xffff;
	[tilespmem:s24+$0x3100] =	vst v14  }
0x182: {  	v35 =	vadd.s32 $0x3D, v3;
	v15 =	vld.idx.msk [tilespmem:v29+s2+$0x0], $0xffff;
	[tilespmem:s25+$0x3100] =	vst v10  }
0x183: {  	v36 =	vadd.s32 $0x3D, v4;
	v2 =	vld.idx.msk [tilespmem:v30+s2+$0x0], $0xffff;
	[tilespmem:s26+$0x3100] =	vst v8  }
0x184: {  	v37 =	vadd.s32 $0x3D, v5;
	[tilespmem:s19+$0x3180] =	vst v31;
	v38 =	vld.idx.msk [tilespmem:v32+s2+$0x0], $0xffff  }
0x185: {  	v40 =	vadd.s32 $0x3D, v6;
	v39 =	vld.idx.msk [tilespmem:v33+s2+$0x0], $0xffff;
	[tilespmem:s21+$0x3180] =	vst v7  }
0x186: {  	v41 =	vadd.s32 $0x3E, v0;
	v12 =	vld.idx.msk [tilespmem:v34+s2+$0x0], $0xffff;
	[tilespmem:s22+$0x3180] =	vst v13  }
0x187: {  	v42 =	vadd.s32 $0x3E, v1;
	v14 =	vld.idx.msk [tilespmem:v35+s2+$0x0], $0xffff;
	[tilespmem:s24+$0x3180] =	vst v15  }
0x188: {  	v43 =	vadd.s32 $0x3E, v3;
	v10 =	vld.idx.msk [tilespmem:v36+s2+$0x0], $0xffff;
	[tilespmem:s25+$0x3180] =	vst v2  }
0x189: {  	v44 =	vadd.s32 $0x3E, v4;
	v8 =	vld.idx.msk [tilespmem:v37+s2+$0x0], $0xffff;
	[tilespmem:s26+$0x3180] =	vst v38  }
0x18a: {  	v45 =	vadd.s32 $0x3E, v5;
	[tilespmem:s19+$0x3200] =	vst v39;
	v7 =	vld.idx.msk [tilespmem:v40+s2+$0x0], $0xffff  }
0x18b: {  	v46 =	vadd.s32 $0x3E, v6;
	v11 =	vld.idx.msk [tilespmem:v41+s2+$0x0], $0xffff;
	[tilespmem:s21+$0x3200] =	vst v12  }
0x18c: {  	v47 =	vadd.s32 $0x3F, v0;
	v13 =	vld.idx.msk [tilespmem:v42+s2+$0x0], $0xffff;
	[tilespmem:s22+$0x3200] =	vst v14  }
0x18d: {  	v48 =	vadd.s32 $0x3F, v1;
	v15 =	vld.idx.msk [tilespmem:v43+s2+$0x0], $0xffff;
	[tilespmem:s24+$0x3200] =	vst v10  }
0x18e: {  	v49 =	vadd.s32 $0x3F, v3;
	v2 =	vld.idx.msk [tilespmem:v44+s2+$0x0], $0xffff;
	[tilespmem:s25+$0x3200] =	vst v8  }
0x18f: {  	v50 =	vadd.s32 $0x3F, v4;
	v9 =	vld.idx.msk [tilespmem:v45+s2+$0x0], $0xffff;
	[tilespmem:s26+$0x3200] =	vst v7  }
0x190: {  	v51 =	vadd.s32 $0x3F, v5;
	[tilespmem:s19+$0x3280] =	vst v11;
	v52 =	vld.idx.msk [tilespmem:v46+s2+$0x0], $0xffff  }
0x191: {  	v54 =	vadd.s32 $0x3F, v6;
	v53 =	vld.idx.msk [tilespmem:v47+s2+$0x0], $0xffff;
	[tilespmem:s21+$0x3280] =	vst v13  }
0x192: {  	v55 =	vadd.s32 $0x40, v0;
	v14 =	vld.idx.msk [tilespmem:v48+s2+$0x0], $0xffff;
	[tilespmem:s22+$0x3280] =	vst v15  }
0x193: {  	v56 =	vadd.s32 $0x40, v1;
	v10 =	vld.idx.msk [tilespmem:v49+s2+$0x0], $0xffff;
	[tilespmem:s24+$0x3280] =	vst v2  }
0x194: {  	v57 =	vadd.s32 $0x40, v3;
	v58 =	vld.idx.msk [tilespmem:v50+s2+$0x0], $0xffff;
	[tilespmem:s25+$0x3280] =	vst v9  }
0x195: {  	v59 =	vadd.s32 $0x40, v4;
	v7 =	vld.idx.msk [tilespmem:v51+s2+$0x0], $0xffff;
	[tilespmem:s26+$0x3280] =	vst v52  }
0x196: {  	v60 =	vadd.s32 $0x40, v5;
	[tilespmem:s19+$0x3300] =	vst v53;
	v61 =	vld.idx.msk [tilespmem:v54+s2+$0x0], $0xffff  }
0x197: {  	v6 =	vadd.s32 $0x40, v6;
	v0 =	vld.idx.msk [tilespmem:v55+s2+$0x0], $0xffff;
	[tilespmem:s21+$0x3300] =	vst v14  }
0x198: {  	v1 =	vld.idx.msk [tilespmem:v56+s2+$0x0], $0xffff;
	[tilespmem:s22+$0x3300] =	vst v10  }
0x199: {  	v2 =	vld.idx.msk [tilespmem:v57+s2+$0x0], $0xffff;
	[tilespmem:s24+$0x3300] =	vst v58  }
0x19a: {  	v3 =	vld.idx.msk [tilespmem:v59+s2+$0x0], $0xffff;
	[tilespmem:s25+$0x3300] =	vst v7  }
0x19b: {  	v62 =	vld.idx.msk [tilespmem:v60+s2+$0x0], $0xffff;
	[tilespmem:s26+$0x3300] =	vst v61  }
0x19c: {  	s31 =	sshll.u32 s16, $0x10;
	s16 =	sadd.s32 $0x1, s16;
	[tilespmem:s19+$0x3380] =	vst v0;
	v63 =	vld.idx.msk [tilespmem:v6+s2+$0x0], $0xffff  }
0x19d: {  	p0 =	sne.s32 s16, $0x32;
	[tilespmem:s21+$0x3380] =	vst v1  }
.Ltmp1:
0x19e: {  	[tilespmem:s22+$0x3380] =	vst v2;
	(pc) =	sbr.rel @p0 .LBB2_2-.Ltmp1, $4  }
0x19f: {  	[tilespmem:s24+$0x3380] =	vst v3  }
0x1a0: {  	[tilespmem:s25+$0x3380] =	vst v62  }
0x1a1: {  	s17 =	sadd.s32 $0x1, s17;
	s15 =	sadd.s32 $0x200, s15;
	s19 =	sadd.s32 s31, s5;
	[tilespmem:s26+$0x3380] =	vst v63  }
0x1a2: {  	[hbm4b:s19+s10] =	stream.strided.scatter [tilespmem:s18], [sflag:s17], $0x4000, s11, s10, $0x38;
	[tilespmem:$0x16510] =	vst v63  }
0x1a3: {  	s14 =	sadd.s32 $0x1, s14  }
0x1a4: {  	_ =	swait.ge [sflag:s12], $0x4000;
	p0 =	sne.s32 s14, s6  }
.Ltmp2:
0x1a5: {  	[sflag:s12] =	ssyncset.done $0x0;
	(pc) =	sbr.rel @p0 .LBB2_1-.Ltmp2, $4  }
0x1a6: {  	[sflag:s12] =	ssyncadd.s32 $0xFFFFC000  }
0x1a7: {  	_ =	swait.ge [sflag:s13], $0x4000  }
0x1a8: {  	[sflag:s13] =	ssyncset.done $0x0  }
0x1a9: {  	[sflag:s13] =	ssyncadd.s32 $0xFFFFC000  }
0x1aa: {  	_ =	sfence.sel $0x180000  }
0x1ab: {  	[bflag:$0x0] =	sbarrier.arrive $0xFFFF  }
0x1ac: {  	p0 =	sne.s32 s0, $0x0;
	_ =	strace $0x90000047  }
0x1ad: {  	s0 =	sadd.s32 @!p0 $0x100000, s1;
	[bflag:$0x2] =	sbarrier.arrive $0xFFFF  }
0x1ae: {  	[sflag:s0] =	ssyncadd.tile.s32 @!p0 $0x1;
	_ =	shalt  }
.Lfunc_end2:
_tile_overlayer_lowered:
.L_overlay_start_2:
0x1af: {  	(tag) =	ssettag $0x2  }
0x1b0: {  	s0 =	rddreg [dreg:$0x0];
	s2 =	stileid.u32  }
0x1b1: {  	s1 =	rddreg [dreg:$0x1];
	p0 =	sne.s32 s2, $0x0  }
0x1b2: {  	s3 =	rddreg [dreg:$0x2];
	[bflag:$0x3] =	sbarrier.arrive $0xFFFF;
	s2 =	simm.s32 @!p0 $0x1C03  }
0x1b3: {  	[timem:s3], [sflag:s2] =	dma.local @!p0 [hbm:s0], s1  }
0x1b4: {  	s0 =	simm.s32 @!p0 $0x3  }
0x1b5: {  	_ =	swait.ge @!p0 [sflag:s0], s1  }
0x1b6: {  	s1 =	ssub.s32 @!p0 $0x0, s1;
	[sflag:s0] =	ssyncset.done @!p0 $0x0  }
0x1b7: {  	[sflag:s0] =	ssyncadd.s32 @!p0 s1  }
0x1b8: {  	[bflag:$0x3] =	sbarrier.arrive $0xFFFF  }
0x1b9: {  	_ =	shalt  }

</sc_bundles>
